<compile_context>
chip_gen: v7x
topology: tpu7x:2x2x1
jax: 0.10.2.dev20260603
libtpu: 0.0.44.dev20260713+nightly
codegen_flags: <defaults>
</compile_context>

<pallas_src>
import functools
import jax
import jax.numpy as jnp
from jax import lax
from jax.experimental import pallas as pl
from jax.experimental.pallas import tpu as pltpu
from jax.experimental.pallas import tpu_sc as plsc

N_NODES = 100000
N_EDGES = 6400000
NUM_RADIAL = 8
CUTOFF = 5.0
ENV_EXP = 5

_ROWS = N_EDGES // 128
_BQ = 400


def _emb_body(freqpi_ref, d2_ref, out_ref):
    d2 = d2_ref[...]
    norm = jnp.sqrt(d2)
    ns = norm * (1.0 / CUTOFF)
    p = ENV_EXP + 1
    a = -(p + 1) * (p + 2) / 2.0
    b = float(p * (p + 2))
    c = -p * (p + 1) / 2.0
    ns2 = ns * ns
    ns4 = ns2 * ns2
    ns5 = ns4 * ns
    env = 1.0 / jnp.maximum(ns, 1e-20) + a * ns5 + b * ns5 * ns + c * ns5 * ns2
    env = jnp.where(ns < 1.0, env, 0.0)
    norm_const = (2.0 / CUTOFF) ** 0.5
    pref = env * norm_const / (norm + 1e-9)

    parts = []
    for k in range(NUM_RADIAL):
        u = ns * freqpi_ref[k]
        ri = jnp.round(u)
        r = u - ri
        odd = ri.astype(jnp.int32) & 1
        sgn = jnp.where(odd == 0, 1.0, -1.0)
        r2 = r * r
        s = r * (3.14159265 + r2 * (-5.16771278 + r2 * (2.55016404
              + r2 * (-0.59926453 + r2 * 0.08214589))))
        parts.append(pref * (sgn * s))
    out_ref[...] = jnp.stack(parts, axis=1)


@functools.partial(jax.jit, static_argnames=())
def _emb_tc(d2r, freqpi):
    out3 = pl.pallas_call(
        _emb_body,
        grid=(_ROWS // _BQ,),
        in_specs=[
            pl.BlockSpec(memory_space=pltpu.SMEM),
            pl.BlockSpec((_BQ, 128), lambda i: (i, 0)),
        ],
        out_specs=pl.BlockSpec((_BQ, 8, 128), lambda i: (i, 0, 0)),
        out_shape=jax.ShapeDtypeStruct((_ROWS, 8, 128), jnp.float32),
    )(freqpi, d2r)
    return out3


_NW = 32
_CB = 3200
_NCHUNK = N_EDGES // _CB
_CPW = -(-_NCHUNK // _NW)


def _sc_d2_body(px_hbm, py_hbm, pz_hbm, edge_hbm, d2_hbm,
                idx_sd0, idx_sd1, idx_c0, idx_c1,
                gx0, gy0, gz0, gx1, gy1, gz1,
                d2_v, sem0, sem1):
    idx_sd = [idx_sd0, idx_sd1]
    idx_c = [idx_c0, idx_c1]
    gat = [[gx0, gy0, gz0], [gx1, gy1, gz1]]
    sems = [sem0, sem1]
    wid = lax.axis_index("s") * 2 + lax.axis_index("c")

    def issue(j, b):
        chunk = wid + j * _NW

        @pl.when(chunk < _NCHUNK)
        def _():
            base = chunk * _CB
            pltpu.sync_copy(edge_hbm.at[:, pl.ds(base, _CB)], idx_sd[b])

            def deint_body(i, _2):
                s = pl.ds(i * 16, 16)
                sd = pl.ds(_CB + i * 16, 16)
                idx_c[b][s] = idx_sd[b][0, s]
                idx_c[b][sd] = idx_sd[b][1, s]
                return 0

            lax.fori_loop(0, _CB // 16, deint_body, 0, unroll=False)
            pltpu.async_copy(px_hbm.at[idx_c[b]], gat[b][0], sems[b])
            pltpu.async_copy(py_hbm.at[idx_c[b]], gat[b][1], sems[b])
            pltpu.async_copy(pz_hbm.at[idx_c[b]], gat[b][2], sems[b])

    def consume(j, b):
        chunk = wid + j * _NW

        @pl.when(chunk < _NCHUNK)
        def _():
            base = chunk * _CB
            for q in range(3):
                pltpu.make_async_copy(px_hbm.at[pl.ds(0, 2 * _CB)], gat[b][q],
                                      sems[b]).wait()
            gx, gy, gz = gat[b]

            def vec_body(i, _2):
                s = pl.ds(i * 16, 16)
                sd = pl.ds(_CB + i * 16, 16)
                dx = gx[s] - gx[sd]
                dy = gy[s] - gy[sd]
                dz = gz[s] - gz[sd]
                d2_v[s] = dx * dx + dy * dy + dz * dz
                return 0

            lax.fori_loop(0, _CB // 16, vec_body, 0, unroll=False)
            pltpu.sync_copy(d2_v, d2_hbm.at[pl.ds(base, _CB)])

    issue(0, 0)

    def pair_body(g, _):
        j0 = 2 * g
        issue(j0 + 1, 1)
        consume(j0, 0)
        issue(j0 + 2, 0)
        consume(j0 + 1, 1)
        return 0

    lax.fori_loop(0, (_CPW + 1) // 2, pair_body, 0, unroll=False)


@jax.jit
def _sc_d2(px, py, pz, edge_index):
    mesh = plsc.VectorSubcoreMesh(core_axis_name="c", subcore_axis_name="s")
    f = pl.kernel(
        _sc_d2_body,
        mesh=mesh,
        out_type=jax.ShapeDtypeStruct((N_EDGES,), jnp.float32),
        scratch_types=(
            [pltpu.VMEM((2, _CB), jnp.int32)] * 2
            + [pltpu.VMEM((2 * _CB,), jnp.int32)] * 2
            + [pltpu.VMEM((2 * _CB,), jnp.float32)] * 6
            + [pltpu.VMEM((_CB,), jnp.float32)]
            + [pltpu.SemaphoreType.DMA] * 2
        ),
    )
    return f(px, py, pz, edge_index)


def kernel(pos, edge_index, frequencies):
    px = pos[:, 0]
    py = pos[:, 1]
    pz = pos[:, 2]
    d2 = _sc_d2(px, py, pz, edge_index)
    d2r = d2.reshape(_ROWS, 128)
    freqpi = frequencies * (1.0 / jnp.pi)
    out3 = _emb_tc(d2r, freqpi)
    return out3.transpose(0, 2, 1).reshape(N_EDGES, NUM_RADIAL)

# --- scband reference (transcript-rebuilt; emitter-appended) ---
"""Pipeline reference for scband-bessel-embedding-30270929502346 (READ-ONLY COPY).

The authoritative reference and input builder live on the scoring server;
editing this copy changes nothing except your own understanding.
"""

import jax, jax.numpy as jnp
import numpy as np

N_NODES = 100000
N_EDGES = 6400000
NUM_RADIAL = 8
CUTOFF = 5.0
ENV_EXP = 5


def envelope(x):
    # DimeNet-style polynomial envelope (PyG Envelope)
    p = ENV_EXP + 1
    a = -(p + 1) * (p + 2) / 2.0
    b = float(p * (p + 2))
    c = -p * (p + 1) / 2.0
    x_pow_p0 = x ** (p - 1)
    x_pow_p1 = x_pow_p0 * x
    x_pow_p2 = x_pow_p1 * x
    env = 1.0 / x + a * x_pow_p0 + b * x_pow_p1 + c * x_pow_p2
    return env * (x < 1.0).astype(x.dtype)


def setup_inputs(seed: int = 0) -> dict:
    key = jax.random.key(seed)
    k1, k2 = jax.random.split(key)
    pos = jax.random.normal(k1, (N_NODES, 3), dtype=jnp.float32) * 2.0
    edge_index = jax.random.randint(k2, (2, N_EDGES), 0, N_NODES, dtype=jnp.int32)
    # learned parameter: frequencies = pi * [1..num_radial]
    frequencies = (jnp.pi * jnp.arange(1, NUM_RADIAL + 1)).astype(jnp.float32)
    return {"pos": pos, "edge_index": edge_index, "frequencies": frequencies}


def reference(pos, edge_index, frequencies):
    # compute_edge_vec (no local frames)
    pos_i = jnp.take(pos, edge_index[1], axis=0)
    pos_j = jnp.take(pos, edge_index[0], axis=0)
    edge_vec = pos_j - pos_i
    norm = jnp.linalg.norm(edge_vec, axis=-1, keepdims=True)  # E x 1
    inv_cutoff = 1.0 / CUTOFF
    norm_const = (2.0 * inv_cutoff) ** 0.5
    norm_scaled = norm * inv_cutoff
    norm_env = envelope(norm_scaled)
    emb = norm_env * norm_const * jnp.sin(norm_scaled * frequencies) / (norm + 1e-9)
    return emb  # E x num_radial

if __name__ == "__main__":
    import jax
    _d = setup_inputs()
    print(jax.jit(kernel)(*tuple(_d.values())))

</pallas_src>

<mosaic_0001>
#map = affine_map<(d0, d1) -> (0)>
#map1 = affine_map<(d0, d1) -> (0, 0)>
module attributes {stable_mosaic.version = 14 : i64} {
  func.func @_sc_d2_body(%arg0: i32, %arg1: i32, %arg2: memref<100000xf32, #tpu.memory_space<hbm>>, %arg3: memref<100000xf32, #tpu.memory_space<hbm>>, %arg4: memref<100000xf32, #tpu.memory_space<hbm>>, %arg5: memref<2x6400000xi32, #tpu.memory_space<hbm>>, %arg6: memref<6400000xf32, #tpu.memory_space<hbm>>, %arg7: memref<2x3200xi32, #tpu.memory_space<vmem>>, %arg8: memref<2x3200xi32, #tpu.memory_space<vmem>>, %arg9: memref<6400xi32, #tpu.memory_space<vmem>>, %arg10: memref<6400xi32, #tpu.memory_space<vmem>>, %arg11: memref<6400xf32, #tpu.memory_space<vmem>>, %arg12: memref<6400xf32, #tpu.memory_space<vmem>>, %arg13: memref<6400xf32, #tpu.memory_space<vmem>>, %arg14: memref<6400xf32, #tpu.memory_space<vmem>>, %arg15: memref<6400xf32, #tpu.memory_space<vmem>>, %arg16: memref<6400xf32, #tpu.memory_space<vmem>>, %arg17: memref<3200xf32, #tpu.memory_space<vmem>>, %arg18: memref<!tpu.dma_semaphore, #tpu.memory_space<semaphore_mem>>, %arg19: memref<!tpu.dma_semaphore, #tpu.memory_space<semaphore_mem>>) attributes {dimension_semantics = [#tpu.dimension_semantics<core_parallel>, #tpu.dimension_semantics<subcore_parallel>], iteration_bounds = array<i64: 2, 16>, scalar_prefetch = 0 : i64, scratch_operands = 13 : i64, tpu.core_type = #tpu.core_type<sc_vector_subcore>, window_params = [{transform_indices = #map}, {transform_indices = #map}, {transform_indices = #map}, {transform_indices = #map1}, {transform_indices = #map}]} {
    %mul3A = arith.constant 2 : i32
    %mul3A_0 = arith.muli %arg1, %mul3A : i32
    %add3A = arith.addi %mul3A_0, %arg0 : i32
    %add3A_1 = arith.constant 0 : i32
    %add3A_2 = arith.addi %add3A, %add3A_1 : i32
    %lt3A = arith.constant 2000 : i32
    %lt3A_3 = arith.cmpi slt, %add3A_2, %lt3A : i32
    %convert_element_type3A = arith.extui %lt3A_3 : i1 to i32
    %cond3A = arith.constant 0 : i32
    %cond3A_4 = arith.cmpi ne, %convert_element_type3A, %cond3A : i32
    scf.if %cond3A_4 {
      %mul3A_11 = arith.constant 3200 : i32
      %mul3A_12 = arith.muli %add3A_2, %mul3A_11 : i32
      "tpu.region"() ({
        %run_scoped3A = tpu.sem_alloc : memref<!tpu.dma_semaphore, #tpu.memory_space<semaphore_mem>>
        %dma_start3A_25 = arith.constant 0 : i32
        %dma_start3A_26 = tpu.memref_slice %arg5[%dma_start3A_25, %mul3A_12] : memref<2x6400000xi32, #tpu.memory_space<hbm>> -> memref<2x3200xi32, #tpu.memory_space<hbm>>
        %dma_start3A_27 = arith.constant 0 : i32
        %dma_start3A_28 = tpu.memref_slice %arg5[%dma_start3A_27, %mul3A_12] : memref<2x6400000xi32, #tpu.memory_space<hbm>> -> memref<2x3200xi32, #tpu.memory_space<hbm>>
        tpu.enqueue_dma source(%dma_start3A_28 : memref<2x3200xi32, #tpu.memory_space<hbm>>) target(%arg7 : memref<2x3200xi32, #tpu.memory_space<vmem>>) target_semaphore(%run_scoped3A : memref<!tpu.dma_semaphore, #tpu.memory_space<semaphore_mem>>)
        %dma_wait3A = arith.constant 0 : i32
        %dma_wait3A_29 = tpu.memref_slice %arg5[%dma_wait3A, %mul3A_12] : memref<2x6400000xi32, #tpu.memory_space<hbm>> -> memref<2x3200xi32, #tpu.memory_space<hbm>>
        %dma_wait3A_30 = arith.constant 0 : i32
        %dma_wait3A_31 = tpu.memref_slice %arg5[%dma_wait3A_30, %mul3A_12] : memref<2x6400000xi32, #tpu.memory_space<hbm>> -> memref<2x3200xi32, #tpu.memory_space<hbm>>
        tpu.wait_dma2 semaphore(%run_scoped3A : memref<!tpu.dma_semaphore, #tpu.memory_space<semaphore_mem>>) src(%dma_wait3A_31 : memref<2x3200xi32, #tpu.memory_space<hbm>>) dst(%arg7 : memref<2x3200xi32, #tpu.memory_space<vmem>>)
        tpu.yield
      }) : () -> ()
      %scan3A_13 = arith.constant 0 : i32
      %scan3A_14 = arith.constant 0 : i32
      %scan3A_15 = arith.constant 200 : i32
      %scan3A_16 = arith.addi %scan3A_14, %scan3A_15 : i32
      %scan3A_17 = arith.constant 1 : i32
      %scan3A_18 = scf.for %scan3A_25 = %scan3A_14 to %scan3A_16 step %scan3A_17 iter_args(%scan3A_26 = %scan3A_13) -> (i32)  : i32 {
        %mul3A_27 = arith.constant 16 : i32
        %mul3A_28 = arith.muli %scan3A_25, %mul3A_27 : i32
        %mul3A_29 = arith.constant 16 : i32
        %mul3A_30 = arith.muli %scan3A_25, %mul3A_29 : i32
        %add3A_31 = arith.constant 3200 : i32
        %add3A_32 = arith.addi %add3A_31, %mul3A_30 : i32
        %get3A = arith.constant 0 : i32
        %get3A_33 = arith.index_cast %get3A : i32 to index
        %get3A_34 = arith.index_cast %mul3A_28 : i32 to index
        %get3A_35 = tpu.vector_load %arg7[%get3A_33, %get3A_34] {strides = array<i32>} : memref<2x3200xi32, #tpu.memory_space<vmem>>, vector<1x16xi32>,
        %get3A_36 = vector.shape_cast %get3A_35 : vector<1x16xi32> to vector<16xi32>
        %swap3A = arith.index_cast %mul3A_28 : i32 to index
        %swap3A_37 = tpu.vector_load %arg9[%swap3A] {strides = array<i32>} : memref<6400xi32, #tpu.memory_space<vmem>>, vector<16xi32>,
        %swap3A_38 = vector.shape_cast %swap3A_37 : vector<16xi32> to vector<16xi32>
        %swap3A_39 = vector.shape_cast %get3A_36 : vector<16xi32> to vector<16xi32>
        tpu.vector_store %arg9[%swap3A], %swap3A_39 {strides = array<i32>} : memref<6400xi32, #tpu.memory_space<vmem>>, vector<16xi32>,
        %get3A_40 = arith.constant 1 : i32
        %get3A_41 = arith.index_cast %get3A_40 : i32 to index
        %get3A_42 = arith.index_cast %mul3A_28 : i32 to index
        %get3A_43 = tpu.vector_load %arg7[%get3A_41, %get3A_42] {strides = array<i32>} : memref<2x3200xi32, #tpu.memory_space<vmem>>, vector<1x16xi32>,
        %get3A_44 = vector.shape_cast %get3A_43 : vector<1x16xi32> to vector<16xi32>
        %swap3A_45 = arith.index_cast %add3A_32 : i32 to index
        %swap3A_46 = tpu.vector_load %arg9[%swap3A_45] {strides = array<i32>} : memref<6400xi32, #tpu.memory_space<vmem>>, vector<16xi32>,
        %swap3A_47 = vector.shape_cast %swap3A_46 : vector<16xi32> to vector<16xi32>
        %swap3A_48 = vector.shape_cast %get3A_44 : vector<16xi32> to vector<16xi32>
        tpu.vector_store %arg9[%swap3A_45], %swap3A_48 {strides = array<i32>} : memref<6400xi32, #tpu.memory_space<vmem>>, vector<16xi32>,
        %scan3A_49 = arith.constant 0 : i32
        scf.yield %scan3A_49 : i32
      }
      %scan3A_19 = arith.constant 200 : i32
      %dma_start3A = arith.constant 0 : i32
      %dma_start3A_20 = tpu.memref_slice %arg2[%dma_start3A] : memref<100000xf32, #tpu.memory_space<hbm>> -> memref<100000xf32, #tpu.memory_space<hbm>>
      tpu.enqueue_indirect_dma source(%dma_start3A_20 : memref<100000xf32, #tpu.memory_space<hbm>>) target(%arg11 : memref<6400xf32, #tpu.memory_space<vmem>>) offsets(%arg9 : memref<6400xi32, #tpu.memory_space<vmem>>) semaphore(%arg18 : memref<!tpu.dma_semaphore, #tpu.memory_space<semaphore_mem>>)
      %dma_start3A_21 = arith.constant 0 : i32
      %dma_start3A_22 = tpu.memref_slice %arg3[%dma_start3A_21] : memref<100000xf32, #tpu.memory_space<hbm>> -> memref<100000xf32, #tpu.memory_space<hbm>>
      tpu.enqueue_indirect_dma source(%dma_start3A_22 : memref<100000xf32, #tpu.memory_space<hbm>>) target(%arg12 : memref<6400xf32, #tpu.memory_space<vmem>>) offsets(%arg9 : memref<6400xi32, #tpu.memory_space<vmem>>) semaphore(%arg18 : memref<!tpu.dma_semaphore, #tpu.memory_space<semaphore_mem>>)
      %dma_start3A_23 = arith.constant 0 : i32
      %dma_start3A_24 = tpu.memref_slice %arg4[%dma_start3A_23] : memref<100000xf32, #tpu.memory_space<hbm>> -> memref<100000xf32, #tpu.memory_space<hbm>>
      tpu.enqueue_indirect_dma source(%dma_start3A_24 : memref<100000xf32, #tpu.memory_space<hbm>>) target(%arg13 : memref<6400xf32, #tpu.memory_space<vmem>>) offsets(%arg9 : memref<6400xi32, #tpu.memory_space<vmem>>) semaphore(%arg18 : memref<!tpu.dma_semaphore, #tpu.memory_space<semaphore_mem>>)
    } else {
    }
    %scan3A = arith.constant 0 : i32
    %scan3A_5 = arith.constant 0 : i32
    %scan3A_6 = arith.constant 32 : i32
    %scan3A_7 = arith.addi %scan3A_5, %scan3A_6 : i32
    %scan3A_8 = arith.constant 1 : i32
    %scan3A_9 = scf.for %scan3A_11 = %scan3A_5 to %scan3A_7 step %scan3A_8 iter_args(%scan3A_12 = %scan3A) -> (i32)  : i32 {
      %mul3A_13 = arith.constant 2 : i32
      %mul3A_14 = arith.muli %mul3A_13, %scan3A_11 : i32
      %add3A_15 = arith.constant 1 : i32
      %add3A_16 = arith.addi %mul3A_14, %add3A_15 : i32
      %mul3A_17 = arith.constant 32 : i32
      %mul3A_18 = arith.muli %add3A_16, %mul3A_17 : i32
      %add3A_19 = arith.addi %add3A, %mul3A_18 : i32
      %lt3A_20 = arith.constant 2000 : i32
      %lt3A_21 = arith.cmpi slt, %add3A_19, %lt3A_20 : i32
      %convert_element_type3A_22 = arith.extui %lt3A_21 : i1 to i32
      %cond3A_23 = arith.constant 0 : i32
      %cond3A_24 = arith.cmpi ne, %convert_element_type3A_22, %cond3A_23 : i32
      scf.if %cond3A_24 {
        %mul3A_54 = arith.constant 3200 : i32
        %mul3A_55 = arith.muli %add3A_19, %mul3A_54 : i32
        "tpu.region"() ({
          %run_scoped3A = tpu.sem_alloc : memref<!tpu.dma_semaphore, #tpu.memory_space<semaphore_mem>>
          %dma_start3A_68 = arith.constant 0 : i32
          %dma_start3A_69 = tpu.memref_slice %arg5[%dma_start3A_68, %mul3A_55] : memref<2x6400000xi32, #tpu.memory_space<hbm>> -> memref<2x3200xi32, #tpu.memory_space<hbm>>
          %dma_start3A_70 = arith.constant 0 : i32
          %dma_start3A_71 = tpu.memref_slice %arg5[%dma_start3A_70, %mul3A_55] : memref<2x6400000xi32, #tpu.memory_space<hbm>> -> memref<2x3200xi32, #tpu.memory_space<hbm>>
          tpu.enqueue_dma source(%dma_start3A_71 : memref<2x3200xi32, #tpu.memory_space<hbm>>) target(%arg8 : memref<2x3200xi32, #tpu.memory_space<vmem>>) target_semaphore(%run_scoped3A : memref<!tpu.dma_semaphore, #tpu.memory_space<semaphore_mem>>)
          %dma_wait3A = arith.constant 0 : i32
          %dma_wait3A_72 = tpu.memref_slice %arg5[%dma_wait3A, %mul3A_55] : memref<2x6400000xi32, #tpu.memory_space<hbm>> -> memref<2x3200xi32, #tpu.memory_space<hbm>>
          %dma_wait3A_73 = arith.constant 0 : i32
          %dma_wait3A_74 = tpu.memref_slice %arg5[%dma_wait3A_73, %mul3A_55] : memref<2x6400000xi32, #tpu.memory_space<hbm>> -> memref<2x3200xi32, #tpu.memory_space<hbm>>
          tpu.wait_dma2 semaphore(%run_scoped3A : memref<!tpu.dma_semaphore, #tpu.memory_space<semaphore_mem>>) src(%dma_wait3A_74 : memref<2x3200xi32, #tpu.memory_space<hbm>>) dst(%arg8 : memref<2x3200xi32, #tpu.memory_space<vmem>>)
          tpu.yield
        }) : () -> ()
        %scan3A_56 = arith.constant 0 : i32
        %scan3A_57 = arith.constant 0 : i32
        %scan3A_58 = arith.constant 200 : i32
        %scan3A_59 = arith.addi %scan3A_57, %scan3A_58 : i32
        %scan3A_60 = arith.constant 1 : i32
        %scan3A_61 = scf.for %scan3A_68 = %scan3A_57 to %scan3A_59 step %scan3A_60 iter_args(%scan3A_69 = %scan3A_56) -> (i32)  : i32 {
          %mul3A_70 = arith.constant 16 : i32
          %mul3A_71 = arith.muli %scan3A_68, %mul3A_70 : i32
          %mul3A_72 = arith.constant 16 : i32
          %mul3A_73 = arith.muli %scan3A_68, %mul3A_72 : i32
          %add3A_74 = arith.constant 3200 : i32
          %add3A_75 = arith.addi %add3A_74, %mul3A_73 : i32
          %get3A = arith.constant 0 : i32
          %get3A_76 = arith.index_cast %get3A : i32 to index
          %get3A_77 = arith.index_cast %mul3A_71 : i32 to index
          %get3A_78 = tpu.vector_load %arg8[%get3A_76, %get3A_77] {strides = array<i32>} : memref<2x3200xi32, #tpu.memory_space<vmem>>, vector<1x16xi32>,
          %get3A_79 = vector.shape_cast %get3A_78 : vector<1x16xi32> to vector<16xi32>
          %swap3A = arith.index_cast %mul3A_71 : i32 to index
          %swap3A_80 = tpu.vector_load %arg10[%swap3A] {strides = array<i32>} : memref<6400xi32, #tpu.memory_space<vmem>>, vector<16xi32>,
          %swap3A_81 = vector.shape_cast %swap3A_80 : vector<16xi32> to vector<16xi32>
          %swap3A_82 = vector.shape_cast %get3A_79 : vector<16xi32> to vector<16xi32>
          tpu.vector_store %arg10[%swap3A], %swap3A_82 {strides = array<i32>} : memref<6400xi32, #tpu.memory_space<vmem>>, vector<16xi32>,
          %get3A_83 = arith.constant 1 : i32
          %get3A_84 = arith.index_cast %get3A_83 : i32 to index
          %get3A_85 = arith.index_cast %mul3A_71 : i32 to index
          %get3A_86 = tpu.vector_load %arg8[%get3A_84, %get3A_85] {strides = array<i32>} : memref<2x3200xi32, #tpu.memory_space<vmem>>, vector<1x16xi32>,
          %get3A_87 = vector.shape_cast %get3A_86 : vector<1x16xi32> to vector<16xi32>
          %swap3A_88 = arith.index_cast %add3A_75 : i32 to index
          %swap3A_89 = tpu.vector_load %arg10[%swap3A_88] {strides = array<i32>} : memref<6400xi32, #tpu.memory_space<vmem>>, vector<16xi32>,
          %swap3A_90 = vector.shape_cast %swap3A_89 : vector<16xi32> to vector<16xi32>
          %swap3A_91 = vector.shape_cast %get3A_87 : vector<16xi32> to vector<16xi32>
          tpu.vector_store %arg10[%swap3A_88], %swap3A_91 {strides = array<i32>} : memref<6400xi32, #tpu.memory_space<vmem>>, vector<16xi32>,
          %scan3A_92 = arith.constant 0 : i32
          scf.yield %scan3A_92 : i32
        }
        %scan3A_62 = arith.constant 200 : i32
        %dma_start3A = arith.constant 0 : i32
        %dma_start3A_63 = tpu.memref_slice %arg2[%dma_start3A] : memref<100000xf32, #tpu.memory_space<hbm>> -> memref<100000xf32, #tpu.memory_space<hbm>>
        tpu.enqueue_indirect_dma source(%dma_start3A_63 : memref<100000xf32, #tpu.memory_space<hbm>>) target(%arg14 : memref<6400xf32, #tpu.memory_space<vmem>>) offsets(%arg10 : memref<6400xi32, #tpu.memory_space<vmem>>) semaphore(%arg19 : memref<!tpu.dma_semaphore, #tpu.memory_space<semaphore_mem>>)
        %dma_start3A_64 = arith.constant 0 : i32
        %dma_start3A_65 = tpu.memref_slice %arg3[%dma_start3A_64] : memref<100000xf32, #tpu.memory_space<hbm>> -> memref<100000xf32, #tpu.memory_space<hbm>>
        tpu.enqueue_indirect_dma source(%dma_start3A_65 : memref<100000xf32, #tpu.memory_space<hbm>>) target(%arg15 : memref<6400xf32, #tpu.memory_space<vmem>>) offsets(%arg10 : memref<6400xi32, #tpu.memory_space<vmem>>) semaphore(%arg19 : memref<!tpu.dma_semaphore, #tpu.memory_space<semaphore_mem>>)
        %dma_start3A_66 = arith.constant 0 : i32
        %dma_start3A_67 = tpu.memref_slice %arg4[%dma_start3A_66] : memref<100000xf32, #tpu.memory_space<hbm>> -> memref<100000xf32, #tpu.memory_space<hbm>>
        tpu.enqueue_indirect_dma source(%dma_start3A_67 : memref<100000xf32, #tpu.memory_space<hbm>>) target(%arg16 : memref<6400xf32, #tpu.memory_space<vmem>>) offsets(%arg10 : memref<6400xi32, #tpu.memory_space<vmem>>) semaphore(%arg19 : memref<!tpu.dma_semaphore, #tpu.memory_space<semaphore_mem>>)
      } else {
      }
      %mul3A_25 = arith.constant 32 : i32
      %mul3A_26 = arith.muli %mul3A_14, %mul3A_25 : i32
      %add3A_27 = arith.addi %add3A, %mul3A_26 : i32
      %lt3A_28 = arith.constant 2000 : i32
      %lt3A_29 = arith.cmpi slt, %add3A_27, %lt3A_28 : i32
      %convert_element_type3A_30 = arith.extui %lt3A_29 : i1 to i32
      %cond3A_31 = arith.constant 0 : i32
      %cond3A_32 = arith.cmpi ne, %convert_element_type3A_30, %cond3A_31 : i32
      scf.if %cond3A_32 {
        %mul3A_54 = arith.constant 3200 : i32
        %mul3A_55 = arith.muli %add3A_27, %mul3A_54 : i32
        %dma_wait3A = arith.constant 0 : i32
        %dma_wait3A_56 = tpu.memref_slice %arg2[%dma_wait3A] : memref<100000xf32, #tpu.memory_space<hbm>> -> memref<6400xf32, #tpu.memory_space<hbm>>
        %dma_wait3A_57 = arith.constant 0 : i32
        %dma_wait3A_58 = tpu.memref_slice %arg2[%dma_wait3A_57] : memref<100000xf32, #tpu.memory_space<hbm>> -> memref<6400xf32, #tpu.memory_space<hbm>>
        tpu.wait_dma2 semaphore(%arg18 : memref<!tpu.dma_semaphore, #tpu.memory_space<semaphore_mem>>) src(%dma_wait3A_58 : memref<6400xf32, #tpu.memory_space<hbm>>) dst(%arg11 : memref<6400xf32, #tpu.memory_space<vmem>>)
        %dma_wait3A_59 = arith.constant 0 : i32
        %dma_wait3A_60 = tpu.memref_slice %arg2[%dma_wait3A_59] : memref<100000xf32, #tpu.memory_space<hbm>> -> memref<6400xf32, #tpu.memory_space<hbm>>
        %dma_wait3A_61 = arith.constant 0 : i32
        %dma_wait3A_62 = tpu.memref_slice %arg2[%dma_wait3A_61] : memref<100000xf32, #tpu.memory_space<hbm>> -> memref<6400xf32, #tpu.memory_space<hbm>>
        tpu.wait_dma2 semaphore(%arg18 : memref<!tpu.dma_semaphore, #tpu.memory_space<semaphore_mem>>) src(%dma_wait3A_62 : memref<6400xf32, #tpu.memory_space<hbm>>) dst(%arg12 : memref<6400xf32, #tpu.memory_space<vmem>>)
        %dma_wait3A_63 = arith.constant 0 : i32
        %dma_wait3A_64 = tpu.memref_slice %arg2[%dma_wait3A_63] : memref<100000xf32, #tpu.memory_space<hbm>> -> memref<6400xf32, #tpu.memory_space<hbm>>
        %dma_wait3A_65 = arith.constant 0 : i32
        %dma_wait3A_66 = tpu.memref_slice %arg2[%dma_wait3A_65] : memref<100000xf32, #tpu.memory_space<hbm>> -> memref<6400xf32, #tpu.memory_space<hbm>>
        tpu.wait_dma2 semaphore(%arg18 : memref<!tpu.dma_semaphore, #tpu.memory_space<semaphore_mem>>) src(%dma_wait3A_66 : memref<6400xf32, #tpu.memory_space<hbm>>) dst(%arg13 : memref<6400xf32, #tpu.memory_space<vmem>>)
        %scan3A_67 = arith.constant 0 : i32
        %scan3A_68 = arith.constant 0 : i32
        %scan3A_69 = arith.constant 200 : i32
        %scan3A_70 = arith.addi %scan3A_68, %scan3A_69 : i32
        %scan3A_71 = arith.constant 1 : i32
        %scan3A_72 = scf.for %scan3A_74 = %scan3A_68 to %scan3A_70 step %scan3A_71 iter_args(%scan3A_75 = %scan3A_67) -> (i32)  : i32 {
          %mul3A_76 = arith.constant 16 : i32
          %mul3A_77 = arith.muli %scan3A_74, %mul3A_76 : i32
          %mul3A_78 = arith.constant 16 : i32
          %mul3A_79 = arith.muli %scan3A_74, %mul3A_78 : i32
          %add3A_80 = arith.constant 3200 : i32
          %add3A_81 = arith.addi %add3A_80, %mul3A_79 : i32
          %get3A = arith.index_cast %mul3A_77 : i32 to index
          %get3A_82 = tpu.vector_load %arg11[%get3A] {strides = array<i32>} : memref<6400xf32, #tpu.memory_space<vmem>>, vector<16xf32>,
          %get3A_83 = vector.shape_cast %get3A_82 : vector<16xf32> to vector<16xf32>
          %get3A_84 = arith.index_cast %add3A_81 : i32 to index
          %get3A_85 = tpu.vector_load %arg11[%get3A_84] {strides = array<i32>} : memref<6400xf32, #tpu.memory_space<vmem>>, vector<16xf32>,
          %get3A_86 = vector.shape_cast %get3A_85 : vector<16xf32> to vector<16xf32>
          %sub3A = arith.subf %get3A_83, %get3A_86 : vector<16xf32>
          %get3A_87 = arith.index_cast %mul3A_77 : i32 to index
          %get3A_88 = tpu.vector_load %arg12[%get3A_87] {strides = array<i32>} : memref<6400xf32, #tpu.memory_space<vmem>>, vector<16xf32>,
          %get3A_89 = vector.shape_cast %get3A_88 : vector<16xf32> to vector<16xf32>
          %get3A_90 = arith.index_cast %add3A_81 : i32 to index
          %get3A_91 = tpu.vector_load %arg12[%get3A_90] {strides = array<i32>} : memref<6400xf32, #tpu.memory_space<vmem>>, vector<16xf32>,
          %get3A_92 = vector.shape_cast %get3A_91 : vector<16xf32> to vector<16xf32>
          %sub3A_93 = arith.subf %get3A_89, %get3A_92 : vector<16xf32>
          %get3A_94 = arith.index_cast %mul3A_77 : i32 to index
          %get3A_95 = tpu.vector_load %arg13[%get3A_94] {strides = array<i32>} : memref<6400xf32, #tpu.memory_space<vmem>>, vector<16xf32>,
          %get3A_96 = vector.shape_cast %get3A_95 : vector<16xf32> to vector<16xf32>
          %get3A_97 = arith.index_cast %add3A_81 : i32 to index
          %get3A_98 = tpu.vector_load %arg13[%get3A_97] {strides = array<i32>} : memref<6400xf32, #tpu.memory_space<vmem>>, vector<16xf32>,
          %get3A_99 = vector.shape_cast %get3A_98 : vector<16xf32> to vector<16xf32>
          %sub3A_100 = arith.subf %get3A_96, %get3A_99 : vector<16xf32>
          %mul3A_101 = arith.mulf %sub3A, %sub3A : vector<16xf32>
          %mul3A_102 = arith.mulf %sub3A_93, %sub3A_93 : vector<16xf32>
          %add3A_103 = arith.addf %mul3A_101, %mul3A_102 : vector<16xf32>
          %mul3A_104 = arith.mulf %sub3A_100, %sub3A_100 : vector<16xf32>
          %add3A_105 = arith.addf %add3A_103, %mul3A_104 : vector<16xf32>
          %swap3A = arith.index_cast %mul3A_77 : i32 to index
          %swap3A_106 = tpu.vector_load %arg17[%swap3A] {strides = array<i32>} : memref<3200xf32, #tpu.memory_space<vmem>>, vector<16xf32>,
          %swap3A_107 = vector.shape_cast %swap3A_106 : vector<16xf32> to vector<16xf32>
          %swap3A_108 = vector.shape_cast %add3A_105 : vector<16xf32> to vector<16xf32>
          tpu.vector_store %arg17[%swap3A], %swap3A_108 {strides = array<i32>} : memref<3200xf32, #tpu.memory_space<vmem>>, vector<16xf32>,
          %scan3A_109 = arith.constant 0 : i32
          scf.yield %scan3A_109 : i32
        }
        %scan3A_73 = arith.constant 200 : i32
        "tpu.region"() ({
          %run_scoped3A = tpu.sem_alloc : memref<!tpu.dma_semaphore, #tpu.memory_space<semaphore_mem>>
          %dma_start3A = tpu.memref_slice %arg6[%mul3A_55] : memref<6400000xf32, #tpu.memory_space<hbm>> -> memref<3200xf32, #tpu.memory_space<hbm>>
          %dma_start3A_74 = tpu.memref_slice %arg6[%mul3A_55] : memref<6400000xf32, #tpu.memory_space<hbm>> -> memref<3200xf32, #tpu.memory_space<hbm>>
          tpu.enqueue_dma source(%arg17 : memref<3200xf32, #tpu.memory_space<vmem>>) target(%dma_start3A_74 : memref<3200xf32, #tpu.memory_space<hbm>>) target_semaphore(%run_scoped3A : memref<!tpu.dma_semaphore, #tpu.memory_space<semaphore_mem>>)
          %dma_wait3A_75 = tpu.memref_slice %arg6[%mul3A_55] : memref<6400000xf32, #tpu.memory_space<hbm>> -> memref<3200xf32, #tpu.memory_space<hbm>>
          %dma_wait3A_76 = tpu.memref_slice %arg6[%mul3A_55] : memref<6400000xf32, #tpu.memory_space<hbm>> -> memref<3200xf32, #tpu.memory_space<hbm>>
          tpu.wait_dma2 semaphore(%run_scoped3A : memref<!tpu.dma_semaphore, #tpu.memory_space<semaphore_mem>>) src(%arg17 : memref<3200xf32, #tpu.memory_space<vmem>>) dst(%dma_wait3A_76 : memref<3200xf32, #tpu.memory_space<hbm>>)
          tpu.yield
        }) : () -> ()
      } else {
      }
      %add3A_33 = arith.constant 2 : i32
      %add3A_34 = arith.addi %mul3A_14, %add3A_33 : i32
      %mul3A_35 = arith.constant 32 : i32
      %mul3A_36 = arith.muli %add3A_34, %mul3A_35 : i32
      %add3A_37 = arith.addi %add3A, %mul3A_36 : i32
      %lt3A_38 = arith.constant 2000 : i32
      %lt3A_39 = arith.cmpi slt, %add3A_37, %lt3A_38 : i32
      %convert_element_type3A_40 = arith.extui %lt3A_39 : i1 to i32
      %cond3A_41 = arith.constant 0 : i32
      %cond3A_42 = arith.cmpi ne, %convert_element_type3A_40, %cond3A_41 : i32
      scf.if %cond3A_42 {
        %mul3A_54 = arith.constant 3200 : i32
        %mul3A_55 = arith.muli %add3A_37, %mul3A_54 : i32
        "tpu.region"() ({
          %run_scoped3A = tpu.sem_alloc : memref<!tpu.dma_semaphore, #tpu.memory_space<semaphore_mem>>
          %dma_start3A_68 = arith.constant 0 : i32
          %dma_start3A_69 = tpu.memref_slice %arg5[%dma_start3A_68, %mul3A_55] : memref<2x6400000xi32, #tpu.memory_space<hbm>> -> memref<2x3200xi32, #tpu.memory_space<hbm>>
          %dma_start3A_70 = arith.constant 0 : i32
          %dma_start3A_71 = tpu.memref_slice %arg5[%dma_start3A_70, %mul3A_55] : memref<2x6400000xi32, #tpu.memory_space<hbm>> -> memref<2x3200xi32, #tpu.memory_space<hbm>>
          tpu.enqueue_dma source(%dma_start3A_71 : memref<2x3200xi32, #tpu.memory_space<hbm>>) target(%arg7 : memref<2x3200xi32, #tpu.memory_space<vmem>>) target_semaphore(%run_scoped3A : memref<!tpu.dma_semaphore, #tpu.memory_space<semaphore_mem>>)
          %dma_wait3A = arith.constant 0 : i32
          %dma_wait3A_72 = tpu.memref_slice %arg5[%dma_wait3A, %mul3A_55] : memref<2x6400000xi32, #tpu.memory_space<hbm>> -> memref<2x3200xi32, #tpu.memory_space<hbm>>
          %dma_wait3A_73 = arith.constant 0 : i32
          %dma_wait3A_74 = tpu.memref_slice %arg5[%dma_wait3A_73, %mul3A_55] : memref<2x6400000xi32, #tpu.memory_space<hbm>> -> memref<2x3200xi32, #tpu.memory_space<hbm>>
          tpu.wait_dma2 semaphore(%run_scoped3A : memref<!tpu.dma_semaphore, #tpu.memory_space<semaphore_mem>>) src(%dma_wait3A_74 : memref<2x3200xi32, #tpu.memory_space<hbm>>) dst(%arg7 : memref<2x3200xi32, #tpu.memory_space<vmem>>)
          tpu.yield
        }) : () -> ()
        %scan3A_56 = arith.constant 0 : i32
        %scan3A_57 = arith.constant 0 : i32
        %scan3A_58 = arith.constant 200 : i32
        %scan3A_59 = arith.addi %scan3A_57, %scan3A_58 : i32
        %scan3A_60 = arith.constant 1 : i32
        %scan3A_61 = scf.for %scan3A_68 = %scan3A_57 to %scan3A_59 step %scan3A_60 iter_args(%scan3A_69 = %scan3A_56) -> (i32)  : i32 {
          %mul3A_70 = arith.constant 16 : i32
          %mul3A_71 = arith.muli %scan3A_68, %mul3A_70 : i32
          %mul3A_72 = arith.constant 16 : i32
          %mul3A_73 = arith.muli %scan3A_68, %mul3A_72 : i32
          %add3A_74 = arith.constant 3200 : i32
          %add3A_75 = arith.addi %add3A_74, %mul3A_73 : i32
          %get3A = arith.constant 0 : i32
          %get3A_76 = arith.index_cast %get3A : i32 to index
          %get3A_77 = arith.index_cast %mul3A_71 : i32 to index
          %get3A_78 = tpu.vector_load %arg7[%get3A_76, %get3A_77] {strides = array<i32>} : memref<2x3200xi32, #tpu.memory_space<vmem>>, vector<1x16xi32>,
          %get3A_79 = vector.shape_cast %get3A_78 : vector<1x16xi32> to vector<16xi32>
          %swap3A = arith.index_cast %mul3A_71 : i32 to index
          %swap3A_80 = tpu.vector_load %arg9[%swap3A] {strides = array<i32>} : memref<6400xi32, #tpu.memory_space<vmem>>, vector<16xi32>,
          %swap3A_81 = vector.shape_cast %swap3A_80 : vector<16xi32> to vector<16xi32>
          %swap3A_82 = vector.shape_cast %get3A_79 : vector<16xi32> to vector<16xi32>
          tpu.vector_store %arg9[%swap3A], %swap3A_82 {strides = array<i32>} : memref<6400xi32, #tpu.memory_space<vmem>>, vector<16xi32>,
          %get3A_83 = arith.constant 1 : i32
          %get3A_84 = arith.index_cast %get3A_83 : i32 to index
          %get3A_85 = arith.index_cast %mul3A_71 : i32 to index
          %get3A_86 = tpu.vector_load %arg7[%get3A_84, %get3A_85] {strides = array<i32>} : memref<2x3200xi32, #tpu.memory_space<vmem>>, vector<1x16xi32>,
          %get3A_87 = vector.shape_cast %get3A_86 : vector<1x16xi32> to vector<16xi32>
          %swap3A_88 = arith.index_cast %add3A_75 : i32 to index
          %swap3A_89 = tpu.vector_load %arg9[%swap3A_88] {strides = array<i32>} : memref<6400xi32, #tpu.memory_space<vmem>>, vector<16xi32>,
          %swap3A_90 = vector.shape_cast %swap3A_89 : vector<16xi32> to vector<16xi32>
          %swap3A_91 = vector.shape_cast %get3A_87 : vector<16xi32> to vector<16xi32>
          tpu.vector_store %arg9[%swap3A_88], %swap3A_91 {strides = array<i32>} : memref<6400xi32, #tpu.memory_space<vmem>>, vector<16xi32>,
          %scan3A_92 = arith.constant 0 : i32
          scf.yield %scan3A_92 : i32
        }
        %scan3A_62 = arith.constant 200 : i32
        %dma_start3A = arith.constant 0 : i32
        %dma_start3A_63 = tpu.memref_slice %arg2[%dma_start3A] : memref<100000xf32, #tpu.memory_space<hbm>> -> memref<100000xf32, #tpu.memory_space<hbm>>
        tpu.enqueue_indirect_dma source(%dma_start3A_63 : memref<100000xf32, #tpu.memory_space<hbm>>) target(%arg11 : memref<6400xf32, #tpu.memory_space<vmem>>) offsets(%arg9 : memref<6400xi32, #tpu.memory_space<vmem>>) semaphore(%arg18 : memref<!tpu.dma_semaphore, #tpu.memory_space<semaphore_mem>>)
        %dma_start3A_64 = arith.constant 0 : i32
        %dma_start3A_65 = tpu.memref_slice %arg3[%dma_start3A_64] : memref<100000xf32, #tpu.memory_space<hbm>> -> memref<100000xf32, #tpu.memory_space<hbm>>
        tpu.enqueue_indirect_dma source(%dma_start3A_65 : memref<100000xf32, #tpu.memory_space<hbm>>) target(%arg12 : memref<6400xf32, #tpu.memory_space<vmem>>) offsets(%arg9 : memref<6400xi32, #tpu.memory_space<vmem>>) semaphore(%arg18 : memref<!tpu.dma_semaphore, #tpu.memory_space<semaphore_mem>>)
        %dma_start3A_66 = arith.constant 0 : i32
        %dma_start3A_67 = tpu.memref_slice %arg4[%dma_start3A_66] : memref<100000xf32, #tpu.memory_space<hbm>> -> memref<100000xf32, #tpu.memory_space<hbm>>
        tpu.enqueue_indirect_dma source(%dma_start3A_67 : memref<100000xf32, #tpu.memory_space<hbm>>) target(%arg13 : memref<6400xf32, #tpu.memory_space<vmem>>) offsets(%arg9 : memref<6400xi32, #tpu.memory_space<vmem>>) semaphore(%arg18 : memref<!tpu.dma_semaphore, #tpu.memory_space<semaphore_mem>>)
      } else {
      }
      %add3A_43 = arith.constant 1 : i32
      %add3A_44 = arith.addi %mul3A_14, %add3A_43 : i32
      %mul3A_45 = arith.constant 32 : i32
      %mul3A_46 = arith.muli %add3A_44, %mul3A_45 : i32
      %add3A_47 = arith.addi %add3A, %mul3A_46 : i32
      %lt3A_48 = arith.constant 2000 : i32
      %lt3A_49 = arith.cmpi slt, %add3A_47, %lt3A_48 : i32
      %convert_element_type3A_50 = arith.extui %lt3A_49 : i1 to i32
      %cond3A_51 = arith.constant 0 : i32
      %cond3A_52 = arith.cmpi ne, %convert_element_type3A_50, %cond3A_51 : i32
      scf.if %cond3A_52 {
        %mul3A_54 = arith.constant 3200 : i32
        %mul3A_55 = arith.muli %add3A_47, %mul3A_54 : i32
        %dma_wait3A = arith.constant 0 : i32
        %dma_wait3A_56 = tpu.memref_slice %arg2[%dma_wait3A] : memref<100000xf32, #tpu.memory_space<hbm>> -> memref<6400xf32, #tpu.memory_space<hbm>>
        %dma_wait3A_57 = arith.constant 0 : i32
        %dma_wait3A_58 = tpu.memref_slice %arg2[%dma_wait3A_57] : memref<100000xf32, #tpu.memory_space<hbm>> -> memref<6400xf32, #tpu.memory_space<hbm>>
        tpu.wait_dma2 semaphore(%arg19 : memref<!tpu.dma_semaphore, #tpu.memory_space<semaphore_mem>>) src(%dma_wait3A_58 : memref<6400xf32, #tpu.memory_space<hbm>>) dst(%arg14 : memref<6400xf32, #tpu.memory_space<vmem>>)
        %dma_wait3A_59 = arith.constant 0 : i32
        %dma_wait3A_60 = tpu.memref_slice %arg2[%dma_wait3A_59] : memref<100000xf32, #tpu.memory_space<hbm>> -> memref<6400xf32, #tpu.memory_space<hbm>>
        %dma_wait3A_61 = arith.constant 0 : i32
        %dma_wait3A_62 = tpu.memref_slice %arg2[%dma_wait3A_61] : memref<100000xf32, #tpu.memory_space<hbm>> -> memref<6400xf32, #tpu.memory_space<hbm>>
        tpu.wait_dma2 semaphore(%arg19 : memref<!tpu.dma_semaphore, #tpu.memory_space<semaphore_mem>>) src(%dma_wait3A_62 : memref<6400xf32, #tpu.memory_space<hbm>>) dst(%arg15 : memref<6400xf32, #tpu.memory_space<vmem>>)
        %dma_wait3A_63 = arith.constant 0 : i32
        %dma_wait3A_64 = tpu.memref_slice %arg2[%dma_wait3A_63] : memref<100000xf32, #tpu.memory_space<hbm>> -> memref<6400xf32, #tpu.memory_space<hbm>>
        %dma_wait3A_65 = arith.constant 0 : i32
        %dma_wait3A_66 = tpu.memref_slice %arg2[%dma_wait3A_65] : memref<100000xf32, #tpu.memory_space<hbm>> -> memref<6400xf32, #tpu.memory_space<hbm>>
        tpu.wait_dma2 semaphore(%arg19 : memref<!tpu.dma_semaphore, #tpu.memory_space<semaphore_mem>>) src(%dma_wait3A_66 : memref<6400xf32, #tpu.memory_space<hbm>>) dst(%arg16 : memref<6400xf32, #tpu.memory_space<vmem>>)
        %scan3A_67 = arith.constant 0 : i32
        %scan3A_68 = arith.constant 0 : i32
        %scan3A_69 = arith.constant 200 : i32
        %scan3A_70 = arith.addi %scan3A_68, %scan3A_69 : i32
        %scan3A_71 = arith.constant 1 : i32
        %scan3A_72 = scf.for %scan3A_74 = %scan3A_68 to %scan3A_70 step %scan3A_71 iter_args(%scan3A_75 = %scan3A_67) -> (i32)  : i32 {
          %mul3A_76 = arith.constant 16 : i32
          %mul3A_77 = arith.muli %scan3A_74, %mul3A_76 : i32
          %mul3A_78 = arith.constant 16 : i32
          %mul3A_79 = arith.muli %scan3A_74, %mul3A_78 : i32
          %add3A_80 = arith.constant 3200 : i32
          %add3A_81 = arith.addi %add3A_80, %mul3A_79 : i32
          %get3A = arith.index_cast %mul3A_77 : i32 to index
          %get3A_82 = tpu.vector_load %arg14[%get3A] {strides = array<i32>} : memref<6400xf32, #tpu.memory_space<vmem>>, vector<16xf32>,
          %get3A_83 = vector.shape_cast %get3A_82 : vector<16xf32> to vector<16xf32>
          %get3A_84 = arith.index_cast %add3A_81 : i32 to index
          %get3A_85 = tpu.vector_load %arg14[%get3A_84] {strides = array<i32>} : memref<6400xf32, #tpu.memory_space<vmem>>, vector<16xf32>,
          %get3A_86 = vector.shape_cast %get3A_85 : vector<16xf32> to vector<16xf32>
          %sub3A = arith.subf %get3A_83, %get3A_86 : vector<16xf32>
          %get3A_87 = arith.index_cast %mul3A_77 : i32 to index
          %get3A_88 = tpu.vector_load %arg15[%get3A_87] {strides = array<i32>} : memref<6400xf32, #tpu.memory_space<vmem>>, vector<16xf32>,
          %get3A_89 = vector.shape_cast %get3A_88 : vector<16xf32> to vector<16xf32>
          %get3A_90 = arith.index_cast %add3A_81 : i32 to index
          %get3A_91 = tpu.vector_load %arg15[%get3A_90] {strides = array<i32>} : memref<6400xf32, #tpu.memory_space<vmem>>, vector<16xf32>,
          %get3A_92 = vector.shape_cast %get3A_91 : vector<16xf32> to vector<16xf32>
          %sub3A_93 = arith.subf %get3A_89, %get3A_92 : vector<16xf32>
          %get3A_94 = arith.index_cast %mul3A_77 : i32 to index
          %get3A_95 = tpu.vector_load %arg16[%get3A_94] {strides = array<i32>} : memref<6400xf32, #tpu.memory_space<vmem>>, vector<16xf32>,
          %get3A_96 = vector.shape_cast %get3A_95 : vector<16xf32> to vector<16xf32>
          %get3A_97 = arith.index_cast %add3A_81 : i32 to index
          %get3A_98 = tpu.vector_load %arg16[%get3A_97] {strides = array<i32>} : memref<6400xf32, #tpu.memory_space<vmem>>, vector<16xf32>,
          %get3A_99 = vector.shape_cast %get3A_98 : vector<16xf32> to vector<16xf32>
          %sub3A_100 = arith.subf %get3A_96, %get3A_99 : vector<16xf32>
          %mul3A_101 = arith.mulf %sub3A, %sub3A : vector<16xf32>
          %mul3A_102 = arith.mulf %sub3A_93, %sub3A_93 : vector<16xf32>
          %add3A_103 = arith.addf %mul3A_101, %mul3A_102 : vector<16xf32>
          %mul3A_104 = arith.mulf %sub3A_100, %sub3A_100 : vector<16xf32>
          %add3A_105 = arith.addf %add3A_103, %mul3A_104 : vector<16xf32>
          %swap3A = arith.index_cast %mul3A_77 : i32 to index
          %swap3A_106 = tpu.vector_load %arg17[%swap3A] {strides = array<i32>} : memref<3200xf32, #tpu.memory_space<vmem>>, vector<16xf32>,
          %swap3A_107 = vector.shape_cast %swap3A_106 : vector<16xf32> to vector<16xf32>
          %swap3A_108 = vector.shape_cast %add3A_105 : vector<16xf32> to vector<16xf32>
          tpu.vector_store %arg17[%swap3A], %swap3A_108 {strides = array<i32>} : memref<3200xf32, #tpu.memory_space<vmem>>, vector<16xf32>,
          %scan3A_109 = arith.constant 0 : i32
          scf.yield %scan3A_109 : i32
        }
        %scan3A_73 = arith.constant 200 : i32
        "tpu.region"() ({
          %run_scoped3A = tpu.sem_alloc : memref<!tpu.dma_semaphore, #tpu.memory_space<semaphore_mem>>
          %dma_start3A = tpu.memref_slice %arg6[%mul3A_55] : memref<6400000xf32, #tpu.memory_space<hbm>> -> memref<3200xf32, #tpu.memory_space<hbm>>
          %dma_start3A_74 = tpu.memref_slice %arg6[%mul3A_55] : memref<6400000xf32, #tpu.memory_space<hbm>> -> memref<3200xf32, #tpu.memory_space<hbm>>
          tpu.enqueue_dma source(%arg17 : memref<3200xf32, #tpu.memory_space<vmem>>) target(%dma_start3A_74 : memref<3200xf32, #tpu.memory_space<hbm>>) target_semaphore(%run_scoped3A : memref<!tpu.dma_semaphore, #tpu.memory_space<semaphore_mem>>)
          %dma_wait3A_75 = tpu.memref_slice %arg6[%mul3A_55] : memref<6400000xf32, #tpu.memory_space<hbm>> -> memref<3200xf32, #tpu.memory_space<hbm>>
          %dma_wait3A_76 = tpu.memref_slice %arg6[%mul3A_55] : memref<6400000xf32, #tpu.memory_space<hbm>> -> memref<3200xf32, #tpu.memory_space<hbm>>
          tpu.wait_dma2 semaphore(%run_scoped3A : memref<!tpu.dma_semaphore, #tpu.memory_space<semaphore_mem>>) src(%arg17 : memref<3200xf32, #tpu.memory_space<vmem>>) dst(%dma_wait3A_76 : memref<3200xf32, #tpu.memory_space<hbm>>)
          tpu.yield
        }) : () -> ()
      } else {
      }
      %scan3A_53 = arith.constant 0 : i32
      scf.yield %scan3A_53 : i32
    }
    %scan3A_10 = arith.constant 32 : i32
    return
  }
}

</mosaic_0001>

<sc_bundles>
// kernel: _sc_d2.3.cloned.1.call-start
scs
__scs_entry_jumppad:
0x0: {  	(pc) =	sbr.rel $0x88, $3  }
0x1: {  	(tag) =	ssettag $0x0;
	lr =	simm.s32 $0x1  }
0x2: {  	[smem:$0x3F9D] =	sst lr;
	_ =	strace $0xD0000000  }
0x3: {  	_ = 	snop  }
0x4: {  	_ = 	snop  }
0x5: {  	_ = 	snop  }
0x6: {  	_ = 	snop  }
0x7: {  	_ = 	snop  }
__scs_overlays_trampoline_lowered:
0x8: {  	[smem:$0x3FAC] =	sst s0  }
0x9: {  	[smem:$0x3FAD] =	sst s1  }
0xa: {  	[smem:$0x3FAE] =	sst s2  }
0xb: {  	[smem:$0x3FAF] =	sst s3  }
0xc: {  	[smem:$0x3FB0] =	sst s4  }
0xd: {  	[smem:$0x3FB1] =	sst s5  }
0xe: {  	[smem:$0x3FB2] =	sst s6  }
0xf: {  	[smem:$0x3FB3] =	sst s7  }
0x10: {  	[smem:$0x3FB4] =	sst s8  }
0x11: {  	[smem:$0x3FB5] =	sst s9;
	s0 =	simm.s32 @!p0 $0x0  }
0x12: {  	s1 =	sld [smem:$0x3F9B];
	s0 =	simm.s32 @p0 $0x1  }
0x13: {  	[smem:$0x3FB6] =	sst s0;
	s0 =	simm.s32 @!p1 $0x0  }
0x14: {  	s2 =	sld [smem:$0x3F9A];
	s0 =	simm.s32 @p1 $0x1  }
0x15: {  	[smem:$0x3FB7] =	sst s0;
	s0 =	simm.s32 @!p2 $0x0  }
0x16: {  	s3 =	sld [smem:$0x3FDB];
	s0 =	simm.s32 @p2 $0x1  }
0x17: {  	s4 =	simm.s32 $0x1BF5;
	[smem:$0x3FB9] =	sst s0  }
0x18: {  	s0 =	sld [smem:$0x3F9C];
	_ =	swait.ge [sflag:s4], $0x0  }
0x19: {  	s7 =	sld [smem:$0x3F9D]  }
0x1a: {  	s8 =	sadd.s32 $0xFFFFE003, lr  }
0x1b: {  	s9 =	sadd.s32 $0xFFFFFEF7, lr;
	s5 =	simm.s32 $0xFFFFFFFF;
	p2 =	slt.u32 s8, $0xFFFFF086  }
0x1c: {  	p1 =	slt.u32 s9, $0xF7A;
	s5 =	simm.s32 @!p2 $0x0  }
0x1d: {  	s5 =	simm.s32 @p1 $0x1;
	p0 =	seq.s32 s7, s2  }
0x1e: {  	s7 =	smul.u32 @!p0 $0xF7A, s2;
	p2 =	seq.s32 @!p0 s5, $0x0  }
0x1f: {  	s9 =	smul.u32 $0xF7A, s1;
	s8 =	simm.s32 @!p0 $0x1BF5;
	p2 =	por !p2, p0  }
0x20: {  	[sflag:s8] =	ssyncset.s32 @!p0 $0xFFFFF086;
	s6 =	sadd.s32 @!p0 s3, s7;
	s7 =	simm.s32 @!p0 $0x108  }
0x21: {  	s3 =	sadd.s32 s3, s9;
	s6 =	sadd.s32 @!p0 $0x88, s6;
	s7 =	simm.s32 @p2 $0x1082  }
0x22: {  	[simem:s7], [sflag:s8] =	dma.local @!p0 [hbm:s6], $0xF7A  }
0x23: {  	s9 =	sor.u32 $0xD0000000, s2;
	s6 =	simm.s32 $0x108;
	_ =	swait.ge @!p0 [sflag:s8], $0x0  }
0x24: {  	s3 =	sadd.s32 $0x88, s3;
	s6 =	simm.s32 @!p1 $0x1082;
	[sflag:s4] =	ssyncset.s32 $0xFFFFF086  }
0x25: {  	[simem:s6], [sflag:s4] =	dma.local [hbm:s3], $0xF7A  }
0x26: {  	[smem:$0x3F9D] =	sst s1;
	(tag) =	ssettag s2;
	_ =	strace s9  }
0x27: {  	s1 =	sld [smem:$0x3FAD]  }
0x28: {  	s2 =	sld [smem:$0x3FAE]  }
0x29: {  	s4 =	sld [smem:$0x3FB0]  }
0x2a: {  	p0 =	seq.s32 s5, $0x0;
	s5 =	sld [smem:$0x3FB1]  }
0x2b: {  	s6 =	sld [smem:$0x3FB2]  }
0x2c: {  	s7 =	sld [smem:$0x3FB3]  }
0x2d: {  	s3 =	simm.s32 $0x108;
	s8 =	sld [smem:$0x3FB4]  }
0x2e: {  	s3 =	simm.s32 @!p0 $0x1082;
	s9 =	sld [smem:$0x3FB5]  }
0x2f: {  	lr =	sadd.s32 s0, s3;
	s0 =	sld [smem:$0x3FAC]  }
0x30: {  	s3 =	sld [smem:$0x3FAF]  }
0x31: {  	[smem:$0x3FB8] =	sst s10  }
0x32: {  	s10 =	sld [smem:$0x3FB6];
	_ =	sdelay $0x3  }
0x33: {  	p0 =	seq.s32 s10, $0x1;
	s10 =	sld [smem:$0x3FB8];
	_ =	sdelay $0x3  }
0x34: {  	[smem:$0x3FB8] =	sst s10  }
0x35: {  	s10 =	sld [smem:$0x3FB7];
	_ =	sdelay $0x3  }
0x36: {  	p1 =	seq.s32 s10, $0x1;
	s10 =	sld [smem:$0x3FB8];
	_ =	sdelay $0x3  }
0x37: {  	[smem:$0x3FB8] =	sst s10  }
0x38: {  	s10 =	sld [smem:$0x3FB9]  }
0x39: {  	_ = 	snop;
	(pc) =	sbr.ind lr, $3  }
0x3a: {  	_ = 	snop  }
0x3b: {  	_ = 	snop  }
0x3c: {  	p2 =	seq.s32 s10, $0x1;
	s10 =	sld [smem:$0x3FB8]  }
0x3d: {  	_ =	shalt  }
0x3e: {  	_ =	shalt  }
0x3f: {  	_ =	shalt  }
0x40: {  	_ =	shalt  }
0x41: {  	_ =	shalt  }
0x42: {  	_ =	shalt  }
0x43: {  	_ =	shalt  }
0x44: {  	_ =	shalt  }
0x45: {  	_ =	shalt  }
0x46: {  	_ =	shalt  }
0x47: {  	_ =	shalt  }
0x48: {  	_ =	shalt  }
0x49: {  	_ =	shalt  }
0x4a: {  	_ =	shalt  }
0x4b: {  	_ =	shalt  }
0x4c: {  	_ =	shalt  }
0x4d: {  	_ =	shalt  }
0x4e: {  	_ =	shalt  }
0x4f: {  	_ =	shalt  }
0x50: {  	_ =	shalt  }
0x51: {  	_ =	shalt  }
0x52: {  	_ =	shalt  }
0x53: {  	_ =	shalt  }
0x54: {  	_ =	shalt  }
0x55: {  	_ =	shalt  }
0x56: {  	_ =	shalt  }
0x57: {  	_ =	shalt  }
0x58: {  	_ =	shalt  }
0x59: {  	_ =	shalt  }
0x5a: {  	_ =	shalt  }
0x5b: {  	_ =	shalt  }
0x5c: {  	_ =	shalt  }
0x5d: {  	_ =	shalt  }
0x5e: {  	_ =	shalt  }
0x5f: {  	_ =	shalt  }
0x60: {  	_ =	shalt  }
0x61: {  	_ =	shalt  }
0x62: {  	_ =	shalt  }
0x63: {  	_ =	shalt  }
0x64: {  	_ =	shalt  }
0x65: {  	_ =	shalt  }
0x66: {  	_ =	shalt  }
0x67: {  	_ =	shalt  }
0x68: {  	_ =	shalt  }
0x69: {  	_ =	shalt  }
0x6a: {  	_ =	shalt  }
0x6b: {  	_ =	shalt  }
0x6c: {  	_ =	shalt  }
0x6d: {  	_ =	shalt  }
0x6e: {  	_ =	shalt  }
0x6f: {  	_ =	shalt  }
0x70: {  	_ =	shalt  }
0x71: {  	_ =	shalt  }
0x72: {  	_ =	shalt  }
0x73: {  	_ =	shalt  }
0x74: {  	_ =	shalt  }
0x75: {  	_ =	shalt  }
0x76: {  	_ =	shalt  }
0x77: {  	_ =	shalt  }
0x78: {  	_ =	shalt  }
0x79: {  	_ =	shalt  }
0x7a: {  	_ =	shalt  }
0x7b: {  	_ =	shalt  }
0x7c: {  	_ =	shalt  }
0x7d: {  	_ =	shalt  }
0x7e: {  	_ =	shalt  }
0x7f: {  	_ =	shalt  }
0x80: {  	_ =	shalt  }
0x81: {  	_ =	shalt  }
0x82: {  	_ =	shalt  }
0x83: {  	_ =	shalt  }
0x84: {  	_ =	shalt  }
0x85: {  	_ =	shalt  }
0x86: {  	_ =	shalt  }
0x87: {  	_ =	shalt  }
.Lfunc_end0:
.L_simem_size_0:
called_computation_lowered:
.L_overlay_start_0:
0x88: {  	s2 =	sld [smem:$0x3FD9]  }
0x89: {  	s3 =	sld [smem:$0x3FFE];
	_ =	sdelay $0x1  }
0x8a: {  	s1 =	srdreg.scid  }
0x8b: {  	s0 =	sand.u32 $0x1, s1  }
0x8c: {  	s18 =	sshll.u32 s0, $0xA;
	s2 =	sadd.s32 s3, s2  }
0x8d: {  	s2 =	sadd.s32 s2, s18  }
0x8e: {  	[smem:$0x3FC4] =	sst s2  }
0x8f: {  	_ = 	snop  }
0x90: {  	s2 =	sld [smem:$0x3FC9]  }
0x91: {  	s19 =	sld [smem:$0x3FC8]  }
0x92: {  	s4 =	sld [smem:$0x3FC7]  }
0x93: {  	s5 =	sld [smem:$0x3FC6]  }
0x94: {  	s6 =	sld [smem:$0x3FD0];
	(tm) =	ssettm $0x1  }
0x95: {  	s7 =	sld [smem:$0x3FFB];
	_ =	sdelay $0x3  }
0x96: {  	_ =	strace s7  }
0x97: {  	s7 =	sld [smem:$0x3FFC];
	_ =	sdelay $0x3  }
0x98: {  	_ =	strace s7  }
0x99: {  	s7 =	sld [smem:$0x3FFD];
	_ =	sdelay $0x3  }
0x9a: {  	_ =	strace s7  }
0x9b: {  	_ =	strace $0x8FFFFFFF  }
0x9c: {  	s20 =	sld [smem:$0x3FDB];
	_ =	sdelay $0x1  }
0x9d: {  	s8 =	simm.s32 $_scs_section_size  }
0x9e: {  	s9 =	simm.s32 $_size__tile_overlayer_lowered;
	s10 =	simm.s32 $_tile_overlayer_lowered  }
0x9f: {  	s23 =	simm.s32 $0x1BFF;
	s22 =	sshll.u32 s10, $0x1;
	s7 =	sadd.s32 s8, s20  }
0xa0: {  	s11 =	simm.s32 $0x0;
	s21 =	sshll.u32 s9, $0x1;
	s9 =	sadd.s32 s22, s7  }
0xa1: {  	[timem:s11], [sflag:s23] =	dma.local [hbm:s9], s21  }
0xa2: {  	_ =	swait.ge [sflag:s23], s21  }
0xa3: {  	s8 =	ssub.s32 $0x0, s21;
	[sflag:s23] =	ssyncset.done $0x0  }
0xa4: {  	[sflag:s23] =	ssyncadd.s32 s8;
	_ =	sdelay $0x1  }
0xa5: {  	s24 =	simm.s32 $0x1B8B  }
0xa6: {  	_ =	swait.ge [sflag:s24], $0x1  }
0xa7: {  	[sflag:s24] =	ssyncset.done $0x0  }
0xa8: {  	s25 =	simm.s32 $0x1B8E;
	[sflag:s24] =	ssyncadd.s32 $0xFFFFFFFF  }
0xa9: {  	s26 =	simm.s32 $execute0_lowered;
	[smem:$0x3FD2] =	sst s25  }
0xaa: {  	s8 =	sshll.u32 s26, $0x1;
	_ =	strace $0x80000046;
	[dreg:$0x1] =	wrdreg $0xFFFFFFFF  }
0xab: {  	s28 =	simm.s32 $_size_execute0_lowered;
	s7 =	sadd.s32 s7, s8;
	[dreg:$0x0] =	wrdreg $0x0  }
0xac: {  	s8 =	sshll.u32 s28, $0x1;
	[dreg:$0x2] =	wrdreg s7  }
0xad: {  	[dreg:$0x3] =	wrdreg s8  }
0xae: {  	[dreg:$0x4] =	wrdreg $0xC0  }
0xaf: {  	_ =	task [dreg:s11], $0x5FFFF  }
0xb0: {  	[dreg:$0x1] =	wrdreg $0xFFFFFFFF  }
0xb1: {  	[dreg:$0x0] =	wrdreg $0x60  }
0xb2: {  	[dreg:$0x2] =	wrdreg s2  }
0xb3: {  	[dreg:$0x3] =	wrdreg s19  }
0xb4: {  	[dreg:$0x4] =	wrdreg s4  }
0xb5: {  	[dreg:$0x5] =	wrdreg s5  }
0xb6: {  	[dreg:$0x6] =	wrdreg s6  }
0xb7: {  	[dreg:$0x7] =	wrdreg $0x9  }
0xb8: {  	_ =	task.clear_ibuf [dreg:s11], $0x8FFFF;
	_ =	strace $0x90000046  }
0xb9: {  	s29 =	simm.s32 $0x9;
	_ =	strace $0x80000048  }
0xba: {  	_ =	swait.ge [sflag:s29], $0x1  }
0xbb: {  	[sflag:s29] =	ssyncadd.s32 $0xFFFFFFFF  }
0xbc: {  	_ =	strace $0x90000048  }
0xbd: {  	_ =	sfence  }
0xbe: {  	s30 =	sld [smem:$0x0];
	_ =	sdelay $0x2  }
0xbf: {  	s31 =	sshll.u32 s1, $0xD;
	s1 =	sshrl.u32 s1, $0x2  }
0xc0: {  	s3 =	sand.u32 $0x4000, s31;
	s1 =	sadd.s32 s1, s30  }
0xc1: {  	s0 =	sor.u32 s3, s0;
	s1 =	sshll.u32 s1, $0x11  }
0xc2: {  	s0 =	sor.u32 s1, s0  }
0xc3: {  	s0 =	sadd.s32 $0x8F2B, s0  }
0xc4: {  	[sflag:s0] =	ssyncadd.remote.s32 $0x1  }
0xc5: {  	_ =	sfence.sel $0xFFFF  }
0xc6: {  	[dreg:$0x0] =	wrdreg $0xFFFFFFFF;
	(pc) =	sbr.abs _section_cstart, $3  }
0xc7: {  	[dreg:$0x1] =	wrdreg $0xFFFFFFFF  }
0xc8: {  	_ =	task.clear_ibuf [dreg:s11], $0x2FFFF;
	_ =	strace $0x9FFFFFFF  }
0xc9: {  	(tm) =	ssettm $0x7FFFFFFF  }
tec
execute0_lowered:
.L_overlay_start_1:
0x0: {  	(tag) =	ssettag $0x1  }
0x1: {  	s0 =	rddreg [dreg:$0x0]  }
0x2: {  	s2 =	rddreg [dreg:$0x1]  }
0x3: {  	s4 =	rddreg [dreg:$0x2]  }
0x4: {  	s5 =	rddreg [dreg:$0x3]  }
0x5: {  	s6 =	rddreg [dreg:$0x4];
	s1 =	srdreg.scid  }
0x6: {  	s3 =	stileid.u32;
	s7 =	simm.s32 $0x0;
	s12 =	simm.s32 $0x3  }
0x7: {  	s13 =	simm.s32 $0x1900;
	s14 =	simm.s32 $0x3200;
	s15 =	simm.s32 $0x6400  }
0x8: {  	s16 =	simm.s32 $0x7D00;
	s1 =	sand.u32 $0x1, s1;
	s3 =	sshll.u32 s3, $0x1  }
0x9: {  	s17 =	simm.s32 $0x9600;
	s18 =	simm.s32 $0x4;
	s8 =	sor.u32 s1, s3  }
0xa: {  	s19 =	simm.s32 $0x4B00;
	s22 =	simm.s32 $0xE100;
	s3 =	smul.u32 $0x320, s8  }
.Ltmp0:
0xb: {  	s23 =	simm.s32 $0x1;
	s9 =	ssub.s32 $0x2, s1;
	(pc) =	sbr.rel .LBB2_1-.Ltmp0, $4  }
0xc: {  	s24 =	simm.s32 $0xFA00;
	s25 =	simm.s32 $0x2;
	s31 =	sshrl.u32 s9, $0x1  }
0xd: {  	[smem:$0x7FF] =	sst s7;
	s1 =	ssub.s32 s9, s31;
	s3 =	sadd.s32 s5, s3  }
0xe: {  	_ =	strace $0x80000047;
	s1 =	smax.u32 s1, $0x1;
	[dreg:$0x6] =	wrdreg s3  }
0xf: {  	s10 =	sor.u32 $0x40, s8;
	[dreg:$0x7] =	wrdreg s1;
	s3 =	simm.s32 $0x0  }
.LBB2_21:
0x10: {  	s3 =	rddreg [dreg:$0x8]  }
0x11: {  	s1 =	rddreg [dreg:$0x7];
	s3 =	sadd.s32 $0x1, s3  }
0x12: {  	p0 =	sne.s32 s3, s1  }
.Ltmp1:
0x13: {  	_ = 	snop;
	(pc) =	sbr.rel @!p0 .LBB2_22-.Ltmp1, $1  }
0x14: {  	_ =	sdelay $0x3  }
.LBB2_1:
0x15: {  	[dreg:$0x8] =	wrdreg s3  }
0x16: {  	s1 =	rddreg [dreg:$0x6]  }
0x17: {  	[tilespmem:s7], [sflag:$0x3] =	stream.linear.gather [hbm4b:s1+s7], $0x1900, $0x38;
	[tilespmem:$0x10680] =	vst v63  }
0x18: {  	_ =	swait.ge [sflag:s12], $0x1900  }
0x19: {  	s30 =	sand.u32 $0x70, s7;
	s31 =	sand.u32 $0x1F00, s7;
	[sflag:s12] =	ssyncset.done $0x0  }
0x1a: {  	s9 =	sor.u32 s30, s31;
	[sflag:s12] =	ssyncadd.s32 $0xFFFFE700  }
0x1b: {  	v0 =	vld [tilespmem:s9+$0x0];
	_ =	sdelay $0x4  }
0x1c: {  	[tilespmem:s14+$0x0] =	vst v0  }
0x1d: {  	v0 =	vld [tilespmem:s9+$0x80];
	_ =	sdelay $0x1  }
0x1e: {  	s20 =	sand.u32 $0xFF0, s7  }
0x1f: {  	s3 =	simm.s32 $0x20;
	s11 =	simm.s32 $0x20;
	s1 =	simm.s32 $0x10  }
0x20: {  	s28 =	sand.u32 $0x1F00, s3;
	s26 =	sand.u32 $0x70, s1;
	s9 =	simm.s32 $0x3200  }
.LBB2_2:
0x21: {  	p0 =	sne.s32 s11, $0xC70;
	s21 =	sor.u32 s26, s28;
	[tilespmem:s20+$0x3E80] =	vst v0  }
0x22: {  	v0 =	vld [tilespmem:s21+$0x0];
	_ =	sdelay $0x3  }
0x23: {  	s9 =	sadd.s32 $0x10, s9  }
0x24: {  	[tilespmem:s9+$0x0] =	vst v0  }
.Ltmp2:
0x25: {  	v0 =	vld [tilespmem:s21+$0x80];
	(pc) =	sbr.rel @p0 .LBB2_2-.Ltmp2, $3  }
0x26: {  	_ =	sdelay $0x1  }
0x27: {  	s20 =	sand.u32 $0xFF0, s1;
	s3 =	sadd.s32 $0x20, s3;
	s1 =	smov.u32 s11  }
0x28: {  	s11 =	sadd.s32 $0x10, s11;
	s26 =	sand.u32 $0x70, s1;
	s28 =	sand.u32 $0x1F00, s3  }
0x29: {  	s3 =	sor.u32 s26, s28;
	[tilespmem:s20+$0x3E80] =	vst v0  }
0x2a: {  	v0 =	vld [tilespmem:s3+$0x0];
	_ =	sdelay $0x3  }
0x2b: {  	s9 =	sadd.s32 $0x10, s9  }
0x2c: {  	[tilespmem:s9+$0x0] =	vst v0  }
0x2d: {  	v0 =	vld [tilespmem:s3+$0x80];
	_ =	sdelay $0x3  }
0x2e: {  	s1 =	sand.u32 $0xFF0, s1  }
0x2f: {  	[tilespmem:s1+$0x3E80] =	vst v0  }
0x30: {  	[tilespmem:s15], [sflag:$0x1] =	stream.indirect.gather [hbm4b:s0+s13], $0x1, s14, s13, $0xb8;
	[tilespmem:$0x10680] =	vst v63  }
.Ltmp3:
0x31: {  	_ = 	snop;
	(pc) =	sbr.rel .LBB2_4-.Ltmp3, $4  }
0x32: {  	_ = 	snop  }
0x33: {  	[tilespmem:s16], [sflag:$0x1] =	stream.indirect.gather [hbm4b:s2+s13], $0x1, s14, s13, $0xb8;
	[tilespmem:$0x10680] =	vst v63  }
0x34: {  	s28 =	simm.s32 $0x0  }
0x35: {  	[tilespmem:s17], [sflag:$0x1] =	stream.indirect.gather [hbm4b:s4+s13], $0x1, s14, s13, $0xb8;
	[tilespmem:$0x10680] =	vst v63  }
.LBB2_20:
0x36: {  	s28 =	sadd.s32 $0x1, s28  }
0x37: {  	p0 =	sne.s32 s28, $0x20  }
.Ltmp4:
0x38: {  	_ = 	snop;
	(pc) =	sbr.rel @!p0 .LBB2_21-.Ltmp4, $1  }
0x39: {  	_ =	sdelay $0x3  }
.LBB2_4:
0x3a: {  	s30 =	sshll.u32 s28, $0x6  }
0x3b: {  	s31 =	sor.u32 s30, s8  }
0x3c: {  	s29 =	sor.u32 $0x20, s31  }
0x3d: {  	p0 =	sgt.u32 s29, $0x7CF  }
.Ltmp5:
0x3e: {  	_ = 	snop;
	(pc) =	sbr.rel @p0 .LBB2_8-.Ltmp5, $1  }
0x3f: {  	_ =	sdelay $0x3  }
0x40: {  	s1 =	smul.u32 $0x320, s29;
	_ =	sdelay $0x1  }
0x41: {  	s9 =	simm.s32 $0x0;
	s1 =	sadd.s32 s5, s1  }
0x42: {  	[tilespmem:s13], [sflag:$0x4] =	stream.linear.gather [hbm4b:s1+s9], $0x1900, $0x38;
	[tilespmem:$0x10680] =	vst v63  }
0x43: {  	_ =	swait.ge [sflag:s18], $0x1900  }
0x44: {  	s26 =	sand.u32 $0x70, s9;
	s3 =	sand.u32 $0x1F00, s9;
	[sflag:s18] =	ssyncset.done $0x0  }
0x45: {  	s11 =	sor.u32 s26, s3;
	[sflag:s18] =	ssyncadd.s32 $0xFFFFE700  }
0x46: {  	v0 =	vld [tilespmem:s11+$0x1900];
	_ =	sdelay $0x3  }
0x47: {  	s3 =	simm.s32 $0x4B00  }
0x48: {  	[tilespmem:s3+$0x0] =	vst v0  }
0x49: {  	v0 =	vld [tilespmem:s11+$0x1980];
	_ =	sdelay $0x2  }
0x4a: {  	s20 =	sand.u32 $0xFF0, s9;
	s1 =	simm.s32 $0x10;
	s9 =	simm.s32 $0x20  }
0x4b: {  	s26 =	sand.u32 $0x70, s1;
	s21 =	sand.u32 $0x1F00, s9;
	s11 =	simm.s32 $0x20  }
.LBB2_6:
0x4c: {  	p1 =	sne.s32 s11, $0xC70;
	s21 =	sor.u32 s26, s21;
	[tilespmem:s20+$0x5780] =	vst v0  }
0x4d: {  	v0 =	vld [tilespmem:s21+$0x1900];
	_ =	sdelay $0x3  }
0x4e: {  	s3 =	sadd.s32 $0x10, s3  }
0x4f: {  	[tilespmem:s3+$0x0] =	vst v0  }
.Ltmp6:
0x50: {  	v0 =	vld [tilespmem:s21+$0x1980];
	(pc) =	sbr.rel @p1 .LBB2_6-.Ltmp6, $3  }
0x51: {  	_ =	sdelay $0x1  }
0x52: {  	s20 =	sand.u32 $0xFF0, s1;
	s9 =	sadd.s32 $0x20, s9;
	s1 =	smov.u32 s11  }
0x53: {  	s11 =	sadd.s32 $0x10, s11;
	s26 =	sand.u32 $0x70, s1;
	s21 =	sand.u32 $0x1F00, s9  }
0x54: {  	s9 =	sor.u32 s26, s21;
	[tilespmem:s20+$0x5780] =	vst v0  }
0x55: {  	v0 =	vld [tilespmem:s9+$0x1900];
	_ =	sdelay $0x3  }
0x56: {  	s3 =	sadd.s32 $0x10, s3  }
0x57: {  	[tilespmem:s3+$0x0] =	vst v0  }
0x58: {  	v0 =	vld [tilespmem:s9+$0x1980];
	_ =	sdelay $0x3  }
0x59: {  	s1 =	sand.u32 $0xFF0, s1  }
0x5a: {  	s21 =	simm.s32 $0xAF00;
	[tilespmem:s1+$0x5780] =	vst v0  }
0x5b: {  	[tilespmem:s21], [sflag:$0x2] =	stream.indirect.gather [hbm4b:s0+s13], $0x1, s19, s13, $0xb8;
	[tilespmem:$0x10680] =	vst v63  }
0x5c: {  	s26 =	simm.s32 $0xC800  }
0x5d: {  	[tilespmem:s26], [sflag:$0x2] =	stream.indirect.gather [hbm4b:s2+s13], $0x1, s19, s13, $0xb8;
	[tilespmem:$0x10680] =	vst v63  }
0x5e: {  	_ = 	snop  }
0x5f: {  	[tilespmem:s22], [sflag:$0x2] =	stream.indirect.gather [hbm4b:s4+s13], $0x1, s19, s13, $0xb8;
	[tilespmem:$0x10680] =	vst v63  }
.LBB2_8:
0x60: {  	p1 =	sgt.u32 s31, $0x7CF  }
.Ltmp7:
0x61: {  	_ = 	snop;
	(pc) =	sbr.rel @p1 .LBB2_12-.Ltmp7, $1  }
0x62: {  	_ =	sdelay $0x3  }
0x63: {  	_ =	swait.ge [sflag:s23], $0x1900  }
0x64: {  	[sflag:s23] =	ssyncset.done $0x0  }
0x65: {  	[sflag:s23] =	ssyncadd.s32 $0xFFFFE700  }
0x66: {  	_ =	swait.ge [sflag:s23], $0x1900  }
0x67: {  	[sflag:s23] =	ssyncset.done $0x0  }
0x68: {  	[sflag:s23] =	ssyncadd.s32 $0xFFFFE700  }
0x69: {  	_ =	swait.ge [sflag:s23], $0x1900  }
0x6a: {  	s1 =	simm.s32 $0x0;
	[sflag:s23] =	ssyncset.done $0x0  }
0x6b: {  	s3 =	sand.u32 $0xFF0, s1;
	[sflag:s23] =	ssyncadd.s32 $0xFFFFE700  }
0x6c: {  	s21 =	simm.s32 $0x6400;
	v0 =	vld [tilespmem:s3+$0x7080]  }
0x6d: {  	s9 =	simm.s32 $0x7D00;
	v1 =	vld [tilespmem:s21+$0x0]  }
0x6e: {  	v2 =	vld [tilespmem:s9+$0x0]  }
0x6f: {  	s1 =	simm.s32 $0x9600;
	v3 =	vld [tilespmem:s3+$0x8980]  }
0x70: {  	v4 =	vld [tilespmem:s1+$0x0]  }
0x71: {  	v5 =	vld [tilespmem:s3+$0xA280];
	_ =	sdelay $0x2  }
0x72: {  	v0 =	vsub.f32 v1, v0;
	v1 =	vsub.f32 v2, v3;
	_ =	sdelay $0x1  }
0x73: {  	v2 =	vsub.f32 v4, v5;
	v0 =	vmul.f32 v0, v0;
	v1 =	vmul.f32 v1, v1;
	_ =	sdelay $0x1  }
0x74: {  	v0 =	vadd.f32 v1, v0;
	v1 =	vmul.f32 v2, v2;
	_ =	sdelay $0x1  }
0x75: {  	v0 =	vadd.f32 v1, v0  }
0x76: {  	s26 =	simm.s32 $0x10;
	s3 =	simm.s32 $0xFA00  }
0x77: {  	s20 =	sand.u32 $0xFF0, s26;
	[tilespmem:s3+$0x0] =	vst v0  }
0x78: {  	s9 =	simm.s32 $0x6410;
	v0 =	vld [tilespmem:s20+$0x7080]  }
0x79: {  	s11 =	simm.s32 $0x7D10;
	v1 =	vld [tilespmem:s9+$0x0]  }
0x7a: {  	s26 =	simm.s32 $0x20;
	v2 =	vld [tilespmem:s11+$0x0]  }
.LBB2_10:
0x7b: {  	p1 =	sne.s32 s26, $0xC70;
	v3 =	vld [tilespmem:s20+$0x8980];
	s1 =	sadd.s32 $0x10, s1  }
0x7c: {  	v4 =	vld [tilespmem:s1+$0x0]  }
0x7d: {  	v5 =	vld [tilespmem:s20+$0xA280];
	_ =	sdelay $0x2  }
0x7e: {  	v0 =	vsub.f32 v1, v0;
	v1 =	vsub.f32 v2, v3;
	_ =	sdelay $0x1  }
0x7f: {  	v0 =	vmul.f32 v0, v0;
	v2 =	vsub.f32 v4, v5;
	v1 =	vmul.f32 v1, v1;
	_ =	sdelay $0x1  }
0x80: {  	v0 =	vadd.f32 v1, v0;
	v1 =	vmul.f32 v2, v2;
	_ =	sdelay $0x1  }
0x81: {  	v0 =	vadd.f32 v1, v0  }
.Ltmp8:
0x82: {  	s3 =	sadd.s32 $0x10, s3;
	(pc) =	sbr.rel @p1 .LBB2_10-.Ltmp8, $4  }
0x83: {  	s20 =	sand.u32 $0xFF0, s26;
	[tilespmem:s3+$0x0] =	vst v0  }
0x84: {  	s9 =	sadd.s32 $0x10, s9;
	v0 =	vld [tilespmem:s20+$0x7080]  }
0x85: {  	s11 =	sadd.s32 $0x10, s11;
	v1 =	vld [tilespmem:s9+$0x0]  }
0x86: {  	s26 =	sadd.s32 $0x10, s26;
	v2 =	vld [tilespmem:s11+$0x0]  }
0x87: {  	v3 =	vld [tilespmem:s20+$0x8980]  }
0x88: {  	s1 =	sadd.s32 $0x10, s1;
	v5 =	vld [tilespmem:s20+$0xA280]  }
0x89: {  	v4 =	vld [tilespmem:s1+$0x0];
	_ =	sdelay $0x2  }
0x8a: {  	v0 =	vsub.f32 v1, v0;
	v61 =	vsub.f32 v2, v3;
	_ =	sdelay $0x1  }
0x8b: {  	v0 =	vmul.f32 v0, v0;
	v62 =	vsub.f32 v4, v5;
	v1 =	vmul.f32 v61, v61;
	_ =	sdelay $0x1  }
0x8c: {  	v63 =	vmul.f32 v62, v62;
	v0 =	vadd.f32 v1, v0;
	_ =	sdelay $0x1  }
0x8d: {  	s31 =	smul.u32 $0x190, s31;
	v0 =	vadd.f32 v63, v0  }
0x8e: {  	s3 =	sadd.s32 $0x10, s3  }
0x8f: {  	s1 =	sadd.s32 s6, s31;
	[tilespmem:s3+$0x0] =	vst v0  }
0x90: {  	[hbm4b:s1+s7] =	stream.linear.scatter [tilespmem:s24], [sflag:$0x4], $0xC80, $0x38;
	[tilespmem:$0x10680] =	vst v63  }
0x91: {  	_ =	swait.ge [sflag:s18], $0xC80  }
0x92: {  	[sflag:s18] =	ssyncset.done $0x0  }
0x93: {  	[sflag:s18] =	ssyncadd.s32 $0xFFFFF380  }
.LBB2_12:
0x94: {  	s1 =	sadd.s32 s10, s30  }
0x95: {  	p1 =	sgt.u32 s1, $0x7CF  }
.Ltmp9:
0x96: {  	_ = 	snop;
	(pc) =	sbr.rel @p1 .LBB2_16-.Ltmp9, $1  }
0x97: {  	_ =	sdelay $0x3  }
0x98: {  	s1 =	smul.u32 $0x320, s1;
	_ =	sdelay $0x1  }
0x99: {  	s9 =	simm.s32 $0x0;
	s1 =	sadd.s32 s5, s1  }
0x9a: {  	[tilespmem:s9], [sflag:$0x4] =	stream.linear.gather [hbm4b:s1+s9], $0x1900, $0x38;
	[tilespmem:$0x10680] =	vst v63  }
0x9b: {  	_ =	swait.ge [sflag:s18], $0x1900  }
0x9c: {  	s31 =	sand.u32 $0x70, s9;
	s3 =	sand.u32 $0x1F00, s9;
	[sflag:s18] =	ssyncset.done $0x0  }
0x9d: {  	s11 =	sor.u32 s31, s3;
	[sflag:s18] =	ssyncadd.s32 $0xFFFFE700  }
0x9e: {  	v0 =	vld [tilespmem:s11+$0x0];
	_ =	sdelay $0x3  }
0x9f: {  	s3 =	simm.s32 $0x3200  }
0xa0: {  	[tilespmem:s3+$0x0] =	vst v0  }
0xa1: {  	v0 =	vld [tilespmem:s11+$0x80];
	_ =	sdelay $0x2  }
0xa2: {  	s20 =	sand.u32 $0xFF0, s9;
	s1 =	simm.s32 $0x10;
	s9 =	simm.s32 $0x20  }
0xa3: {  	s26 =	sand.u32 $0x70, s1;
	s21 =	sand.u32 $0x1F00, s9;
	s11 =	simm.s32 $0x20  }
.LBB2_14:
0xa4: {  	p1 =	sne.s32 s11, $0xC70;
	s21 =	sor.u32 s26, s21;
	[tilespmem:s20+$0x3E80] =	vst v0  }
0xa5: {  	v0 =	vld [tilespmem:s21+$0x0];
	_ =	sdelay $0x3  }
0xa6: {  	s3 =	sadd.s32 $0x10, s3  }
0xa7: {  	[tilespmem:s3+$0x0] =	vst v0  }
.Ltmp10:
0xa8: {  	v0 =	vld [tilespmem:s21+$0x80];
	(pc) =	sbr.rel @p1 .LBB2_14-.Ltmp10, $3  }
0xa9: {  	_ =	sdelay $0x1  }
0xaa: {  	s20 =	sand.u32 $0xFF0, s1;
	s9 =	sadd.s32 $0x20, s9;
	s1 =	smov.u32 s11  }
0xab: {  	s11 =	sadd.s32 $0x10, s11;
	s26 =	sand.u32 $0x70, s1;
	s21 =	sand.u32 $0x1F00, s9  }
0xac: {  	s9 =	sor.u32 s26, s21;
	[tilespmem:s20+$0x3E80] =	vst v0  }
0xad: {  	v0 =	vld [tilespmem:s9+$0x0];
	_ =	sdelay $0x3  }
0xae: {  	s3 =	sadd.s32 $0x10, s3  }
0xaf: {  	[tilespmem:s3+$0x0] =	vst v0  }
0xb0: {  	v0 =	vld [tilespmem:s9+$0x80];
	_ =	sdelay $0x3  }
0xb1: {  	s1 =	sand.u32 $0xFF0, s1  }
0xb2: {  	[tilespmem:s1+$0x3E80] =	vst v0  }
0xb3: {  	[tilespmem:s15], [sflag:$0x1] =	stream.indirect.gather [hbm4b:s0+s13], $0x1, s14, s13, $0xb8;
	[tilespmem:$0x10680] =	vst v63  }
0xb4: {  	_ = 	snop  }
0xb5: {  	[tilespmem:s16], [sflag:$0x1] =	stream.indirect.gather [hbm4b:s2+s13], $0x1, s14, s13, $0xb8;
	[tilespmem:$0x10680] =	vst v63  }
0xb6: {  	_ = 	snop  }
0xb7: {  	[tilespmem:s17], [sflag:$0x1] =	stream.indirect.gather [hbm4b:s4+s13], $0x1, s14, s13, $0xb8;
	[tilespmem:$0x10680] =	vst v63  }
.LBB2_16:
.Ltmp11:
0xb8: {  	(pc) =	sbr.rel @p0 .LBB2_20-.Ltmp11, $1  }
0xb9: {  	_ =	sdelay $0x3  }
0xba: {  	_ =	swait.ge [sflag:s25], $0x1900  }
0xbb: {  	[sflag:s25] =	ssyncset.done $0x0  }
0xbc: {  	[sflag:s25] =	ssyncadd.s32 $0xFFFFE700  }
0xbd: {  	_ =	swait.ge [sflag:s25], $0x1900  }
0xbe: {  	[sflag:s25] =	ssyncset.done $0x0  }
0xbf: {  	[sflag:s25] =	ssyncadd.s32 $0xFFFFE700  }
0xc0: {  	_ =	swait.ge [sflag:s25], $0x1900  }
0xc1: {  	s1 =	simm.s32 $0x0;
	[sflag:s25] =	ssyncset.done $0x0  }
0xc2: {  	s3 =	sand.u32 $0xFF0, s1;
	[sflag:s25] =	ssyncadd.s32 $0xFFFFE700  }
0xc3: {  	s30 =	simm.s32 $0xAF00;
	v0 =	vld [tilespmem:s3+$0xBB80]  }
0xc4: {  	s9 =	simm.s32 $0xC800;
	v1 =	vld [tilespmem:s30+$0x0]  }
0xc5: {  	v2 =	vld [tilespmem:s9+$0x0]  }
0xc6: {  	s1 =	simm.s32 $0xE100;
	v3 =	vld [tilespmem:s3+$0xD480]  }
0xc7: {  	v4 =	vld [tilespmem:s1+$0x0]  }
0xc8: {  	v5 =	vld [tilespmem:s3+$0xED80];
	_ =	sdelay $0x2  }
0xc9: {  	v0 =	vsub.f32 v1, v0;
	v1 =	vsub.f32 v2, v3;
	_ =	sdelay $0x1  }
0xca: {  	v2 =	vsub.f32 v4, v5;
	v0 =	vmul.f32 v0, v0;
	v1 =	vmul.f32 v1, v1;
	_ =	sdelay $0x1  }
0xcb: {  	v0 =	vadd.f32 v1, v0;
	v1 =	vmul.f32 v2, v2;
	_ =	sdelay $0x1  }
0xcc: {  	v0 =	vadd.f32 v1, v0  }
0xcd: {  	s31 =	simm.s32 $0x10;
	s3 =	simm.s32 $0xFA00  }
0xce: {  	s20 =	sand.u32 $0xFF0, s31;
	[tilespmem:s3+$0x0] =	vst v0  }
0xcf: {  	s9 =	simm.s32 $0xAF10;
	v0 =	vld [tilespmem:s20+$0xBB80]  }
0xd0: {  	s11 =	simm.s32 $0xC810;
	v1 =	vld [tilespmem:s9+$0x0]  }
0xd1: {  	s26 =	simm.s32 $0x20;
	v2 =	vld [tilespmem:s11+$0x0]  }
.LBB2_18:
0xd2: {  	p0 =	sne.s32 s26, $0xC70;
	v3 =	vld [tilespmem:s20+$0xD480];
	s1 =	sadd.s32 $0x10, s1  }
0xd3: {  	v4 =	vld [tilespmem:s1+$0x0]  }
0xd4: {  	v5 =	vld [tilespmem:s20+$0xED80];
	_ =	sdelay $0x2  }
0xd5: {  	v0 =	vsub.f32 v1, v0;
	v1 =	vsub.f32 v2, v3;
	_ =	sdelay $0x1  }
0xd6: {  	v0 =	vmul.f32 v0, v0;
	v2 =	vsub.f32 v4, v5;
	v1 =	vmul.f32 v1, v1;
	_ =	sdelay $0x1  }
0xd7: {  	v0 =	vadd.f32 v1, v0;
	v1 =	vmul.f32 v2, v2;
	_ =	sdelay $0x1  }
0xd8: {  	v0 =	vadd.f32 v1, v0  }
.Ltmp12:
0xd9: {  	s3 =	sadd.s32 $0x10, s3;
	(pc) =	sbr.rel @p0 .LBB2_18-.Ltmp12, $4  }
0xda: {  	s20 =	sand.u32 $0xFF0, s26;
	[tilespmem:s3+$0x0] =	vst v0  }
0xdb: {  	s9 =	sadd.s32 $0x10, s9;
	v0 =	vld [tilespmem:s20+$0xBB80]  }
0xdc: {  	s11 =	sadd.s32 $0x10, s11;
	v1 =	vld [tilespmem:s9+$0x0]  }
0xdd: {  	s26 =	sadd.s32 $0x10, s26;
	v2 =	vld [tilespmem:s11+$0x0]  }
0xde: {  	v3 =	vld [tilespmem:s20+$0xD480]  }
0xdf: {  	s1 =	sadd.s32 $0x10, s1;
	v5 =	vld [tilespmem:s20+$0xED80]  }
0xe0: {  	v4 =	vld [tilespmem:s1+$0x0];
	_ =	sdelay $0x2  }
0xe1: {  	v0 =	vsub.f32 v1, v0;
	v61 =	vsub.f32 v2, v3;
	_ =	sdelay $0x1  }
0xe2: {  	v0 =	vmul.f32 v0, v0;
	v62 =	vsub.f32 v4, v5;
	v1 =	vmul.f32 v61, v61;
	_ =	sdelay $0x1  }
0xe3: {  	v63 =	vmul.f32 v62, v62;
	v0 =	vadd.f32 v1, v0;
	_ =	sdelay $0x1  }
0xe4: {  	s31 =	smul.u32 $0x190, s29;
	v0 =	vadd.f32 v63, v0  }
0xe5: {  	s3 =	sadd.s32 $0x10, s3  }
.Ltmp13:
0xe6: {  	s1 =	sadd.s32 s6, s31;
	[tilespmem:s3+$0x0] =	vst v0;
	(pc) =	sbr.rel .LBB2_20-.Ltmp13, $4  }
0xe7: {  	[hbm4b:s1+s7] =	stream.linear.scatter [tilespmem:s24], [sflag:$0x3], $0xC80, $0x38;
	[tilespmem:$0x10680] =	vst v63  }
0xe8: {  	_ =	swait.ge [sflag:s12], $0xC80  }
0xe9: {  	[sflag:s12] =	ssyncset.done $0x0  }
0xea: {  	[sflag:s12] =	ssyncadd.s32 $0xFFFFF380  }
.LBB2_22:
0xeb: {  	_ =	sfence.sel $0x180000  }
0xec: {  	[bflag:$0x0] =	sbarrier.arrive $0xFFFF  }
0xed: {  	_ =	strace $0x90000047  }
0xee: {  	s0 =	stileid.u32;
	[bflag:$0x2] =	sbarrier.arrive $0xFFFF  }
0xef: {  	p0 =	sne.s32 s0, $0x0;
	s0 =	rddreg [dreg:$0x5]  }
0xf0: {  	s0 =	sadd.s32 @!p0 $0x100000, s0  }
0xf1: {  	[sflag:s0] =	ssyncadd.tile.s32 @!p0 $0x1;
	_ =	shalt  }
.Lfunc_end2:
_tile_overlayer_lowered:
.L_overlay_start_2:
0xf2: {  	(tag) =	ssettag $0x2  }
0xf3: {  	s0 =	rddreg [dreg:$0x0];
	s2 =	stileid.u32  }
0xf4: {  	s1 =	rddreg [dreg:$0x1];
	p0 =	sne.s32 s2, $0x0  }
0xf5: {  	s3 =	rddreg [dreg:$0x2];
	[bflag:$0x3] =	sbarrier.arrive $0xFFFF;
	s2 =	simm.s32 @!p0 $0x1C03  }
0xf6: {  	[timem:s3], [sflag:s2] =	dma.local @!p0 [hbm:s0], s1  }
0xf7: {  	s0 =	simm.s32 @!p0 $0x3  }
0xf8: {  	_ =	swait.ge @!p0 [sflag:s0], s1  }
0xf9: {  	s1 =	ssub.s32 @!p0 $0x0, s1;
	[sflag:s0] =	ssyncset.done @!p0 $0x0  }
0xfa: {  	[sflag:s0] =	ssyncadd.s32 @!p0 s1  }
0xfb: {  	[bflag:$0x3] =	sbarrier.arrive $0xFFFF  }
0xfc: {  	_ =	shalt  }

</sc_bundles>
